<compile_context>
chip_gen: v7x
topology: tpu7x:2x2x1
jax: 0.10.2.dev20260603
libtpu: 0.0.44.dev20260713+nightly
codegen_flags: <defaults>
</compile_context>

<pallas_src>
import functools

import jax
import jax.numpy as jnp
from jax import lax
from jax.experimental import pallas as pl
from jax.experimental.pallas import tpu as pltpu
from jax.experimental.pallas import tpu_sc as plsc

B = 16384
N_DENSE = 13
N_SPARSE = 26
VOCAB = 100000
EMBED = 16
ROWS = N_SPARSE * EMBED

NW = 32
RPW = ROWS // NW
CH = 4096
NCH = B // CH
TPC = CH // 16


def _sc_gather_t(embT, idxT):
    mesh = plsc.VectorSubcoreMesh(core_axis_name="c", subcore_axis_name="s")

    @functools.partial(
        pl.kernel,
        out_type=jax.ShapeDtypeStruct((ROWS, B), jnp.float32),
        mesh=mesh,
        scratch_types=[
            pltpu.VMEM((VOCAB,), jnp.float32),
            pltpu.VMEM((B,), jnp.int32),
            pltpu.VMEM((2 * CH,), jnp.float32),
            pltpu.SemaphoreType.DMA,
            pltpu.SemaphoreType.DMA,
            pltpu.SemaphoreType.DMA,
            pltpu.SemaphoreType.DMA,
        ],
        compiler_params=pltpu.CompilerParams(
            use_tc_tiling_on_sc=True, needs_layout_passes=False
        ),
    )
    def k(embT_hbm, idxT_hbm, out_hbm, rowb, idxb, outb, semr, semi, semo0, semo1):
        wid = lax.axis_index("s") * 2 + lax.axis_index("c")
        r0 = wid * RPW
        semo = (semo0, semo1)

        @pl.loop(0, RPW)
        def _row(i):
            r = r0 + i
            f = lax.shift_right_logical(r, 4)
            cpr = pltpu.async_copy(embT_hbm.at[r], rowb, semr)

            @pl.when((i == 0) | (f != lax.shift_right_logical(r - 1, 4)))
            def _load_idx():
                pltpu.async_copy(idxT_hbm.at[f], idxb, semi).wait()

            cpr.wait()
            for c in range(NCH):
                b = c & 1
                ob = outb.at[pl.ds(b * CH, CH)]
                oh = out_hbm.at[r, pl.ds(c * CH, CH)]

                def _drain(ob=ob, oh=oh, s=semo[b]):
                    pltpu.make_async_copy(ob, oh, s).wait()

                if c >= 2:
                    _drain()
                else:
                    pl.when(i > 0)(_drain)

                U = 8
                @pl.loop(0, TPC // U)
                def _vec(t, c=c, b=b):
                    bi = c * CH + t * (16 * U)
                    bo = b * CH + t * (16 * U)
                    ivs = [idxb[pl.ds(bi + k * 16, 16)] for k in range(U)]
                    gs = [plsc.load_gather(rowb, [iv]) for iv in ivs]
                    for k in range(U):
                        outb[pl.ds(bo + k * 16, 16)] = gs[k]

                pltpu.async_copy(ob, oh, semo[b])

        rl = r0 + RPW - 1
        for c in range(NCH - 2, NCH):
            b = c & 1
            pltpu.make_async_copy(
                outb.at[pl.ds(b * CH, CH)],
                out_hbm.at[rl, pl.ds(c * CH, CH)],
                semo[b],
            ).wait()

    return k(embT, idxT)


TB = 4096


def _mlp_body(xt_ref, e_ref, w1a_ref, w1b_ref, b1_ref, w2_ref, b2_ref,
              w3_ref, b3_ref, wws_ref, wod_ref, cz_ref, o_ref):
    dense_t = xt_ref[:N_DENSE, :]
    e = e_ref[:]
    h = jnp.dot(w1a_ref[:], dense_t, preferred_element_type=jnp.float32)
    h = h + jnp.dot(w1b_ref[:], e, preferred_element_type=jnp.float32)
    h = jnp.maximum(h + b1_ref[:], 0.0)
    h = jnp.dot(w2_ref[:], h, preferred_element_type=jnp.float32)
    h = jnp.maximum(h + b2_ref[:], 0.0)
    h = jnp.dot(w3_ref[:], h, preferred_element_type=jnp.float32)
    h = jnp.maximum(h + b3_ref[:], 0.0)
    z = jnp.dot(wod_ref[:], h, preferred_element_type=jnp.float32)
    z = z + jnp.dot(wws_ref[:], e, preferred_element_type=jnp.float32)
    o_ref[:] = jax.nn.sigmoid(z + cz_ref[0, 0])


def _tc_mlp(xt, e, W1aT, W1bT, b1c, W2T, b2c, W3T, b3c, WwsT, WodT, cz):
    grid = (B // TB,)
    full = lambda a: pl.BlockSpec(a.shape, lambda i: (0,) * a.ndim)
    return pl.pallas_call(
        _mlp_body,
        grid=grid,
        in_specs=[
            pl.BlockSpec((xt.shape[0], TB), lambda i: (0, i)),
            pl.BlockSpec((ROWS, TB), lambda i: (0, i)),
            full(W1aT), full(W1bT), full(b1c), full(W2T), full(b2c),
            full(W3T), full(b3c), full(WwsT), full(WodT), full(cz),
        ],
        out_specs=pl.BlockSpec((1, TB), lambda i: (0, i)),
        out_shape=jax.ShapeDtypeStruct((1, B), jnp.float32),
    )(xt, e, W1aT, W1bT, b1c, W2T, b2c, W3T, b3c, WwsT, WodT, cz)


def kernel(inputs, emb, W1, b1, W2, b2, W3, b3, Ww, bw, Wo, bo):
    embT = emb.transpose(0, 2, 1).reshape(ROWS, VOCAB)
    inputsT = inputs.T
    idxT = jnp.clip(inputsT[N_DENSE:].astype(jnp.int32), 0, VOCAB - 1)

    embTg = _sc_gather_t(embT, idxT)

    c_wide = Wo[-1, 0]
    W1aT = W1[:N_DENSE].T
    W1bT = W1[N_DENSE:].T
    W2T = W2.T
    W3T = W3.T
    WodT = Wo[:-1].T
    WwsT = (Ww * c_wide).T
    cz = (bw[0] * c_wide + bo[0]).reshape(1, 1)

    out_t = _tc_mlp(inputsT, embTg, W1aT, W1bT, b1.reshape(-1, 1),
                    W2T, b2.reshape(-1, 1), W3T, b3.reshape(-1, 1),
                    WwsT, WodT, cz)
    return out_t.T

# --- scband reference (transcript-rebuilt; emitter-appended) ---
"""Pipeline reference for scband-dwm-84490596646968 (READ-ONLY COPY).

The authoritative reference and input builder live on the scoring server;
editing this copy changes nothing except your own understanding.
"""

import jax, jax.numpy as jnp
import numpy as np

B = 16384
N_DENSE = 13
N_SPARSE = 26
VOCAB = 100000
EMBED = 16
HIDE = [256, 128, 64]


def setup_inputs(seed: int = 0) -> dict:
    key = jax.random.key(seed)
    ks = jax.random.split(key, 16)
    dense = jax.random.normal(ks[0], (B, N_DENSE), dtype=jnp.float32)
    sparse = jax.random.randint(ks[1], (B, N_SPARSE), 0, VOCAB).astype(jnp.float32)
    inputs = jnp.concatenate([dense, sparse], axis=1)
    # stacked embedding tables, one per sparse field (all same vocab/dim)
    emb = jax.random.normal(ks[2], (N_SPARSE, VOCAB, EMBED), dtype=jnp.float32) * 0.05
    d_in = N_DENSE + N_SPARSE * EMBED  # 429
    W1 = jax.random.normal(ks[3], (d_in, HIDE[0]), dtype=jnp.float32) * (1.0 / np.sqrt(d_in))
    b1 = jnp.zeros((HIDE[0],), dtype=jnp.float32)
    W2 = jax.random.normal(ks[4], (HIDE[0], HIDE[1]), dtype=jnp.float32) * (1.0 / np.sqrt(HIDE[0]))
    b2 = jnp.zeros((HIDE[1],), dtype=jnp.float32)
    W3 = jax.random.normal(ks[5], (HIDE[1], HIDE[2]), dtype=jnp.float32) * (1.0 / np.sqrt(HIDE[1]))
    b3 = jnp.zeros((HIDE[2],), dtype=jnp.float32)
    d_wide = N_SPARSE * EMBED  # 416
    Ww = jax.random.normal(ks[6], (d_wide, 1), dtype=jnp.float32) * (1.0 / np.sqrt(d_wide))
    bw = jnp.zeros((1,), dtype=jnp.float32)
    Wo = jax.random.normal(ks[7], (HIDE[2] + 1, 1), dtype=jnp.float32) * (1.0 / np.sqrt(HIDE[2] + 1))
    bo = jnp.zeros((1,), dtype=jnp.float32)
    return {"inputs": inputs, "emb": emb, "W1": W1, "b1": b1, "W2": W2, "b2": b2,
            "W3": W3, "b3": b3, "Ww": Ww, "bw": bw, "Wo": Wo, "bo": bo}


def reference(inputs, emb, W1, b1, W2, b2, W3, b3, Ww, bw, Wo, bo):
    dense_inputs = inputs[:, :N_DENSE]
    idx = jnp.clip(inputs[:, N_DENSE:].astype(jnp.int32), 0, VOCAB - 1)  # [B, 26]
    # per-field embedding lookup: emb[f, idx[:, f]] -> [B, 26, 16]
    field_ids = jnp.arange(N_SPARSE)[None, :]
    gathered = emb[field_ids, idx]
    embed_inputs = gathered.reshape(inputs.shape[0], N_SPARSE * EMBED)  # [B, 416]
    dnn_input = jnp.concatenate([dense_inputs, embed_inputs], axis=1)  # [B, 429]
    h = jax.nn.relu(dnn_input @ W1 + b1)
    h = jax.nn.relu(h @ W2 + b2)
    dnn_output = jax.nn.relu(h @ W3 + b3)  # [B, 64]
    wide_output = embed_inputs @ Ww + bw  # [B, 1] (logistic regression, linear part)
    concat_out = jnp.concatenate([dnn_output, wide_output], axis=1)  # [B, 65]
    output = jax.nn.sigmoid(concat_out @ Wo + bo)  # [B, 1]
    return output

if __name__ == "__main__":
    import jax
    _d = setup_inputs()
    print(jax.jit(kernel)(*tuple(_d.values())))

</pallas_src>

<mosaic_0001>
#map = affine_map<(d0, d1) -> (0, 0)>
module attributes {stable_mosaic.version = 14 : i64} {
  func.func @k(%arg0: i32, %arg1: i32, %arg2: memref<416x100000xf32, #tpu.memory_space<hbm>>, %arg3: memref<26x16384xi32, #tpu.memory_space<hbm>>, %arg4: memref<416x16384xf32, #tpu.memory_space<hbm>>, %arg5: memref<100000xf32, #tpu.memory_space<vmem>>, %arg6: memref<16384xi32, #tpu.memory_space<vmem>>, %arg7: memref<8192xf32, #tpu.memory_space<vmem>>, %arg8: memref<!tpu.dma_semaphore, #tpu.memory_space<semaphore_mem>>, %arg9: memref<!tpu.dma_semaphore, #tpu.memory_space<semaphore_mem>>, %arg10: memref<!tpu.dma_semaphore, #tpu.memory_space<semaphore_mem>>, %arg11: memref<!tpu.dma_semaphore, #tpu.memory_space<semaphore_mem>>) attributes {dimension_semantics = [#tpu.dimension_semantics<core_parallel>, #tpu.dimension_semantics<subcore_parallel>], iteration_bounds = array<i64: 2, 16>, scalar_prefetch = 0 : i64, scratch_operands = 7 : i64, tpu.core_type = #tpu.core_type<sc_vector_subcore>, window_params = [{transform_indices = #map}, {transform_indices = #map}, {transform_indices = #map}]} {
    %mul3A = arith.constant 2 : i32
    %mul3A_0 = arith.muli %arg1, %mul3A : i32
    %add3A = arith.addi %mul3A_0, %arg0 : i32
    %mul3A_1 = arith.constant 13 : i32
    %mul3A_2 = arith.muli %add3A, %mul3A_1 : i32
    %scan3A = arith.constant 0 : i32
    %scan3A_3 = arith.constant 13 : i32
    %scan3A_4 = arith.addi %scan3A, %scan3A_3 : i32
    %scan3A_5 = arith.constant 1 : i32
    scf.for %scan3A_29 = %scan3A to %scan3A_4 step %scan3A_5  : i32 {
      %mul3A_30 = arith.constant 1 : i32
      %mul3A_31 = arith.muli %scan3A_29, %mul3A_30 : i32
      %add3A_32 = arith.constant 0 : i32
      %add3A_33 = arith.addi %add3A_32, %mul3A_31 : i32
      %add3A_34 = arith.addi %mul3A_2, %add3A_33 : i32
      %shift_right_logical3A = arith.constant 4 : i32
      %shift_right_logical3A_35 = arith.shrui %add3A_34, %shift_right_logical3A : i32
      %dma_start3A = arith.constant 0 : i32
      %dma_start3A_36 = tpu.memref_slice %arg2[%add3A_34, %dma_start3A] : memref<416x100000xf32, #tpu.memory_space<hbm>> -> memref<1x100000xf32, #tpu.memory_space<hbm>>
      %dma_start3A_37 = tpu.memref_squeeze %dma_start3A_36 : memref<1x100000xf32, #tpu.memory_space<hbm>> -> memref<100000xf32, #tpu.memory_space<hbm>>
      %dma_start3A_38 = arith.constant 0 : i32
      %dma_start3A_39 = tpu.memref_slice %arg2[%add3A_34, %dma_start3A_38] : memref<416x100000xf32, #tpu.memory_space<hbm>> -> memref<1x100000xf32, #tpu.memory_space<hbm>>
      %dma_start3A_40 = tpu.memref_squeeze %dma_start3A_39 : memref<1x100000xf32, #tpu.memory_space<hbm>> -> memref<100000xf32, #tpu.memory_space<hbm>>
      tpu.enqueue_dma source(%dma_start3A_40 : memref<100000xf32, #tpu.memory_space<hbm>>) target(%arg5 : memref<100000xf32, #tpu.memory_space<vmem>>) target_semaphore(%arg8 : memref<!tpu.dma_semaphore, #tpu.memory_space<semaphore_mem>>)
      %eq3A = arith.constant 0 : i32
      %eq3A_41 = arith.cmpi eq, %add3A_33, %eq3A : i32
      %sub3A_42 = arith.constant 1 : i32
      %sub3A_43 = arith.subi %add3A_34, %sub3A_42 : i32
      %shift_right_logical3A_44 = arith.constant 4 : i32
      %shift_right_logical3A_45 = arith.shrui %sub3A_43, %shift_right_logical3A_44 : i32
      %ne3A = arith.cmpi ne, %shift_right_logical3A_35, %shift_right_logical3A_45 : i32
      %or3A = arith.ori %eq3A_41, %ne3A : i1
      %convert_element_type3A = arith.extui %or3A : i1 to i32
      %cond3A = arith.constant 0 : i32
      %cond3A_46 = arith.cmpi ne, %convert_element_type3A, %cond3A : i32
      scf.if %cond3A_46 {
        %dma_start3A_142 = arith.constant 0 : i32
        %dma_start3A_143 = tpu.memref_slice %arg3[%shift_right_logical3A_35, %dma_start3A_142] : memref<26x16384xi32, #tpu.memory_space<hbm>> -> memref<1x16384xi32, #tpu.memory_space<hbm>>
        %dma_start3A_144 = tpu.memref_squeeze %dma_start3A_143 : memref<1x16384xi32, #tpu.memory_space<hbm>> -> memref<16384xi32, #tpu.memory_space<hbm>>
        %dma_start3A_145 = arith.constant 0 : i32
        %dma_start3A_146 = tpu.memref_slice %arg3[%shift_right_logical3A_35, %dma_start3A_145] : memref<26x16384xi32, #tpu.memory_space<hbm>> -> memref<1x16384xi32, #tpu.memory_space<hbm>>
        %dma_start3A_147 = tpu.memref_squeeze %dma_start3A_146 : memref<1x16384xi32, #tpu.memory_space<hbm>> -> memref<16384xi32, #tpu.memory_space<hbm>>
        tpu.enqueue_dma source(%dma_start3A_147 : memref<16384xi32, #tpu.memory_space<hbm>>) target(%arg6 : memref<16384xi32, #tpu.memory_space<vmem>>) target_semaphore(%arg9 : memref<!tpu.dma_semaphore, #tpu.memory_space<semaphore_mem>>)
        %dma_wait3A_148 = arith.constant 0 : i32
        %dma_wait3A_149 = tpu.memref_slice %arg3[%shift_right_logical3A_35, %dma_wait3A_148] : memref<26x16384xi32, #tpu.memory_space<hbm>> -> memref<1x16384xi32, #tpu.memory_space<hbm>>
        %dma_wait3A_150 = tpu.memref_squeeze %dma_wait3A_149 : memref<1x16384xi32, #tpu.memory_space<hbm>> -> memref<16384xi32, #tpu.memory_space<hbm>>
        %dma_wait3A_151 = arith.constant 0 : i32
        %dma_wait3A_152 = tpu.memref_slice %arg3[%shift_right_logical3A_35, %dma_wait3A_151] : memref<26x16384xi32, #tpu.memory_space<hbm>> -> memref<1x16384xi32, #tpu.memory_space<hbm>>
        %dma_wait3A_153 = tpu.memref_squeeze %dma_wait3A_152 : memref<1x16384xi32, #tpu.memory_space<hbm>> -> memref<16384xi32, #tpu.memory_space<hbm>>
        tpu.wait_dma2 semaphore(%arg9 : memref<!tpu.dma_semaphore, #tpu.memory_space<semaphore_mem>>) src(%dma_wait3A_153 : memref<16384xi32, #tpu.memory_space<hbm>>) dst(%arg6 : memref<16384xi32, #tpu.memory_space<vmem>>)
      } else {
      }
      %dma_wait3A_47 = arith.constant 0 : i32
      %dma_wait3A_48 = tpu.memref_slice %arg2[%add3A_34, %dma_wait3A_47] : memref<416x100000xf32, #tpu.memory_space<hbm>> -> memref<1x100000xf32, #tpu.memory_space<hbm>>
      %dma_wait3A_49 = tpu.memref_squeeze %dma_wait3A_48 : memref<1x100000xf32, #tpu.memory_space<hbm>> -> memref<100000xf32, #tpu.memory_space<hbm>>
      %dma_wait3A_50 = arith.constant 0 : i32
      %dma_wait3A_51 = tpu.memref_slice %arg2[%add3A_34, %dma_wait3A_50] : memref<416x100000xf32, #tpu.memory_space<hbm>> -> memref<1x100000xf32, #tpu.memory_space<hbm>>
      %dma_wait3A_52 = tpu.memref_squeeze %dma_wait3A_51 : memref<1x100000xf32, #tpu.memory_space<hbm>> -> memref<100000xf32, #tpu.memory_space<hbm>>
      tpu.wait_dma2 semaphore(%arg8 : memref<!tpu.dma_semaphore, #tpu.memory_space<semaphore_mem>>) src(%dma_wait3A_52 : memref<100000xf32, #tpu.memory_space<hbm>>) dst(%arg5 : memref<100000xf32, #tpu.memory_space<vmem>>)
      %gt3A = arith.constant 0 : i32
      %gt3A_53 = arith.cmpi sgt, %add3A_33, %gt3A : i32
      %convert_element_type3A_54 = arith.extui %gt3A_53 : i1 to i32
      %cond3A_55 = arith.constant 0 : i32
      %cond3A_56 = arith.cmpi ne, %convert_element_type3A_54, %cond3A_55 : i32
      scf.if %cond3A_56 {
        %dma_wait3A_142 = arith.constant 0 : i32
        %dma_wait3A_143 = tpu.memref_slice %arg7[%dma_wait3A_142] : memref<8192xf32, #tpu.memory_space<vmem>> -> memref<4096xf32, #tpu.memory_space<vmem>>
        %dma_wait3A_144 = arith.constant 0 : i32
        %dma_wait3A_145 = tpu.memref_slice %arg4[%add3A_34, %dma_wait3A_144] : memref<416x16384xf32, #tpu.memory_space<hbm>> -> memref<1x4096xf32, #tpu.memory_space<hbm>>
        %dma_wait3A_146 = tpu.memref_squeeze %dma_wait3A_145 : memref<1x4096xf32, #tpu.memory_space<hbm>> -> memref<4096xf32, #tpu.memory_space<hbm>>
        %dma_wait3A_147 = arith.constant 0 : i32
        %dma_wait3A_148 = tpu.memref_slice %arg4[%add3A_34, %dma_wait3A_147] : memref<416x16384xf32, #tpu.memory_space<hbm>> -> memref<1x4096xf32, #tpu.memory_space<hbm>>
        %dma_wait3A_149 = tpu.memref_squeeze %dma_wait3A_148 : memref<1x4096xf32, #tpu.memory_space<hbm>> -> memref<4096xf32, #tpu.memory_space<hbm>>
        %dma_wait3A_150 = arith.constant 0 : i32
        %dma_wait3A_151 = tpu.memref_slice %arg7[%dma_wait3A_150] : memref<8192xf32, #tpu.memory_space<vmem>> -> memref<4096xf32, #tpu.memory_space<vmem>>
        tpu.wait_dma2 semaphore(%arg10 : memref<!tpu.dma_semaphore, #tpu.memory_space<semaphore_mem>>) src(%dma_wait3A_151 : memref<4096xf32, #tpu.memory_space<vmem>>) dst(%dma_wait3A_149 : memref<4096xf32, #tpu.memory_space<hbm>>)
      } else {
      }
      %scan3A_57 = arith.constant 0 : i32
      %scan3A_58 = arith.constant 32 : i32
      %scan3A_59 = arith.addi %scan3A_57, %scan3A_58 : i32
      %scan3A_60 = arith.constant 1 : i32
      scf.for %scan3A_142 = %scan3A_57 to %scan3A_59 step %scan3A_60  : i32 {
        %mul3A_143 = arith.constant 1 : i32
        %mul3A_144 = arith.muli %scan3A_142, %mul3A_143 : i32
        %add3A_145 = arith.constant 0 : i32
        %add3A_146 = arith.addi %add3A_145, %mul3A_144 : i32
        %mul3A_147 = arith.constant 128 : i32
        %mul3A_148 = arith.muli %add3A_146, %mul3A_147 : i32
        %add3A_149 = arith.constant 0 : i32
        %add3A_150 = arith.addi %add3A_149, %mul3A_148 : i32
        %mul3A_151 = arith.constant 128 : i32
        %mul3A_152 = arith.muli %add3A_146, %mul3A_151 : i32
        %add3A_153 = arith.constant 0 : i32
        %add3A_154 = arith.addi %add3A_153, %mul3A_152 : i32
        %add3A_155 = arith.constant 0 : i32
        %add3A_156 = arith.addi %add3A_150, %add3A_155 : i32
        %get3A = arith.index_cast %add3A_156 : i32 to index
        %get3A_157 = tpu.vector_load %arg6[%get3A] {strides = array<i32>} : memref<16384xi32, #tpu.memory_space<vmem>>, vector<16xi32>,
        %add3A_158 = arith.constant 16 : i32
        %add3A_159 = arith.addi %add3A_150, %add3A_158 : i32
        %get3A_160 = arith.index_cast %add3A_159 : i32 to index
        %get3A_161 = tpu.vector_load %arg6[%get3A_160] {strides = array<i32>} : memref<16384xi32, #tpu.memory_space<vmem>>, vector<16xi32>,
        %add3A_162 = arith.constant 32 : i32
        %add3A_163 = arith.addi %add3A_150, %add3A_162 : i32
        %get3A_164 = arith.index_cast %add3A_163 : i32 to index
        %get3A_165 = tpu.vector_load %arg6[%get3A_164] {strides = array<i32>} : memref<16384xi32, #tpu.memory_space<vmem>>, vector<16xi32>,
        %add3A_166 = arith.constant 48 : i32
        %add3A_167 = arith.addi %add3A_150, %add3A_166 : i32
        %get3A_168 = arith.index_cast %add3A_167 : i32 to index
        %get3A_169 = tpu.vector_load %arg6[%get3A_168] {strides = array<i32>} : memref<16384xi32, #tpu.memory_space<vmem>>, vector<16xi32>,
        %add3A_170 = arith.constant 64 : i32
        %add3A_171 = arith.addi %add3A_150, %add3A_170 : i32
        %get3A_172 = arith.index_cast %add3A_171 : i32 to index
        %get3A_173 = tpu.vector_load %arg6[%get3A_172] {strides = array<i32>} : memref<16384xi32, #tpu.memory_space<vmem>>, vector<16xi32>,
        %add3A_174 = arith.constant 80 : i32
        %add3A_175 = arith.addi %add3A_150, %add3A_174 : i32
        %get3A_176 = arith.index_cast %add3A_175 : i32 to index
        %get3A_177 = tpu.vector_load %arg6[%get3A_176] {strides = array<i32>} : memref<16384xi32, #tpu.memory_space<vmem>>, vector<16xi32>,
        %add3A_178 = arith.constant 96 : i32
        %add3A_179 = arith.addi %add3A_150, %add3A_178 : i32
        %get3A_180 = arith.index_cast %add3A_179 : i32 to index
        %get3A_181 = tpu.vector_load %arg6[%get3A_180] {strides = array<i32>} : memref<16384xi32, #tpu.memory_space<vmem>>, vector<16xi32>,
        %add3A_182 = arith.constant 112 : i32
        %add3A_183 = arith.addi %add3A_150, %add3A_182 : i32
        %get3A_184 = arith.index_cast %add3A_183 : i32 to index
        %get3A_185 = tpu.vector_load %arg6[%get3A_184] {strides = array<i32>} : memref<16384xi32, #tpu.memory_space<vmem>>, vector<16xi32>,
        %gather3A = tpu.vector_load_idx %arg5[%get3A_157] : memref<100000xf32, #tpu.memory_space<vmem>>[vector<16xi32>], vector<16xf32>,
        %gather3A_186 = tpu.vector_load_idx %arg5[%get3A_161] : memref<100000xf32, #tpu.memory_space<vmem>>[vector<16xi32>], vector<16xf32>,
        %gather3A_187 = tpu.vector_load_idx %arg5[%get3A_165] : memref<100000xf32, #tpu.memory_space<vmem>>[vector<16xi32>], vector<16xf32>,
        %gather3A_188 = tpu.vector_load_idx %arg5[%get3A_169] : memref<100000xf32, #tpu.memory_space<vmem>>[vector<16xi32>], vector<16xf32>,
        %gather3A_189 = tpu.vector_load_idx %arg5[%get3A_173] : memref<100000xf32, #tpu.memory_space<vmem>>[vector<16xi32>], vector<16xf32>,
        %gather3A_190 = tpu.vector_load_idx %arg5[%get3A_177] : memref<100000xf32, #tpu.memory_space<vmem>>[vector<16xi32>], vector<16xf32>,
        %gather3A_191 = tpu.vector_load_idx %arg5[%get3A_181] : memref<100000xf32, #tpu.memory_space<vmem>>[vector<16xi32>], vector<16xf32>,
        %gather3A_192 = tpu.vector_load_idx %arg5[%get3A_185] : memref<100000xf32, #tpu.memory_space<vmem>>[vector<16xi32>], vector<16xf32>,
        %add3A_193 = arith.constant 0 : i32
        %add3A_194 = arith.addi %add3A_154, %add3A_193 : i32
        %swap3A = arith.index_cast %add3A_194 : i32 to index
        %swap3A_195 = tpu.vector_load %arg7[%swap3A] {strides = array<i32>} : memref<8192xf32, #tpu.memory_space<vmem>>, vector<16xf32>,
        tpu.vector_store %arg7[%swap3A], %gather3A {strides = array<i32>} : memref<8192xf32, #tpu.memory_space<vmem>>, vector<16xf32>,
        %add3A_196 = arith.constant 16 : i32
        %add3A_197 = arith.addi %add3A_154, %add3A_196 : i32
        %swap3A_198 = arith.index_cast %add3A_197 : i32 to index
        %swap3A_199 = tpu.vector_load %arg7[%swap3A_198] {strides = array<i32>} : memref<8192xf32, #tpu.memory_space<vmem>>, vector<16xf32>,
        tpu.vector_store %arg7[%swap3A_198], %gather3A_186 {strides = array<i32>} : memref<8192xf32, #tpu.memory_space<vmem>>, vector<16xf32>,
        %add3A_200 = arith.constant 32 : i32
        %add3A_201 = arith.addi %add3A_154, %add3A_200 : i32
        %swap3A_202 = arith.index_cast %add3A_201 : i32 to index
        %swap3A_203 = tpu.vector_load %arg7[%swap3A_202] {strides = array<i32>} : memref<8192xf32, #tpu.memory_space<vmem>>, vector<16xf32>,
        tpu.vector_store %arg7[%swap3A_202], %gather3A_187 {strides = array<i32>} : memref<8192xf32, #tpu.memory_space<vmem>>, vector<16xf32>,
        %add3A_204 = arith.constant 48 : i32
        %add3A_205 = arith.addi %add3A_154, %add3A_204 : i32
        %swap3A_206 = arith.index_cast %add3A_205 : i32 to index
        %swap3A_207 = tpu.vector_load %arg7[%swap3A_206] {strides = array<i32>} : memref<8192xf32, #tpu.memory_space<vmem>>, vector<16xf32>,
        tpu.vector_store %arg7[%swap3A_206], %gather3A_188 {strides = array<i32>} : memref<8192xf32, #tpu.memory_space<vmem>>, vector<16xf32>,
        %add3A_208 = arith.constant 64 : i32
        %add3A_209 = arith.addi %add3A_154, %add3A_208 : i32
        %swap3A_210 = arith.index_cast %add3A_209 : i32 to index
        %swap3A_211 = tpu.vector_load %arg7[%swap3A_210] {strides = array<i32>} : memref<8192xf32, #tpu.memory_space<vmem>>, vector<16xf32>,
        tpu.vector_store %arg7[%swap3A_210], %gather3A_189 {strides = array<i32>} : memref<8192xf32, #tpu.memory_space<vmem>>, vector<16xf32>,
        %add3A_212 = arith.constant 80 : i32
        %add3A_213 = arith.addi %add3A_154, %add3A_212 : i32
        %swap3A_214 = arith.index_cast %add3A_213 : i32 to index
        %swap3A_215 = tpu.vector_load %arg7[%swap3A_214] {strides = array<i32>} : memref<8192xf32, #tpu.memory_space<vmem>>, vector<16xf32>,
        tpu.vector_store %arg7[%swap3A_214], %gather3A_190 {strides = array<i32>} : memref<8192xf32, #tpu.memory_space<vmem>>, vector<16xf32>,
        %add3A_216 = arith.constant 96 : i32
        %add3A_217 = arith.addi %add3A_154, %add3A_216 : i32
        %swap3A_218 = arith.index_cast %add3A_217 : i32 to index
        %swap3A_219 = tpu.vector_load %arg7[%swap3A_218] {strides = array<i32>} : memref<8192xf32, #tpu.memory_space<vmem>>, vector<16xf32>,
        tpu.vector_store %arg7[%swap3A_218], %gather3A_191 {strides = array<i32>} : memref<8192xf32, #tpu.memory_space<vmem>>, vector<16xf32>,
        %add3A_220 = arith.constant 112 : i32
        %add3A_221 = arith.addi %add3A_154, %add3A_220 : i32
        %swap3A_222 = arith.index_cast %add3A_221 : i32 to index
        %swap3A_223 = tpu.vector_load %arg7[%swap3A_222] {strides = array<i32>} : memref<8192xf32, #tpu.memory_space<vmem>>, vector<16xf32>,
        tpu.vector_store %arg7[%swap3A_222], %gather3A_192 {strides = array<i32>} : memref<8192xf32, #tpu.memory_space<vmem>>, vector<16xf32>,
      }
      %scan3A_61 = arith.constant 32 : i32
      %dma_start3A_62 = arith.constant 0 : i32
      %dma_start3A_63 = tpu.memref_slice %arg7[%dma_start3A_62] : memref<8192xf32, #tpu.memory_space<vmem>> -> memref<4096xf32, #tpu.memory_space<vmem>>
      %dma_start3A_64 = arith.constant 0 : i32
      %dma_start3A_65 = tpu.memref_slice %arg4[%add3A_34, %dma_start3A_64] : memref<416x16384xf32, #tpu.memory_space<hbm>> -> memref<1x4096xf32, #tpu.memory_space<hbm>>
      %dma_start3A_66 = tpu.memref_squeeze %dma_start3A_65 : memref<1x4096xf32, #tpu.memory_space<hbm>> -> memref<4096xf32, #tpu.memory_space<hbm>>
      %dma_start3A_67 = arith.constant 0 : i32
      %dma_start3A_68 = tpu.memref_slice %arg4[%add3A_34, %dma_start3A_67] : memref<416x16384xf32, #tpu.memory_space<hbm>> -> memref<1x4096xf32, #tpu.memory_space<hbm>>
      %dma_start3A_69 = tpu.memref_squeeze %dma_start3A_68 : memref<1x4096xf32, #tpu.memory_space<hbm>> -> memref<4096xf32, #tpu.memory_space<hbm>>
      %dma_start3A_70 = arith.constant 0 : i32
      %dma_start3A_71 = tpu.memref_slice %arg7[%dma_start3A_70] : memref<8192xf32, #tpu.memory_space<vmem>> -> memref<4096xf32, #tpu.memory_space<vmem>>
      tpu.enqueue_dma source(%dma_start3A_71 : memref<4096xf32, #tpu.memory_space<vmem>>) target(%dma_start3A_69 : memref<4096xf32, #tpu.memory_space<hbm>>) target_semaphore(%arg10 : memref<!tpu.dma_semaphore, #tpu.memory_space<semaphore_mem>>)
      %gt3A_72 = arith.constant 0 : i32
      %gt3A_73 = arith.cmpi sgt, %add3A_33, %gt3A_72 : i32
      %convert_element_type3A_74 = arith.extui %gt3A_73 : i1 to i32
      %cond3A_75 = arith.constant 0 : i32
      %cond3A_76 = arith.cmpi ne, %convert_element_type3A_74, %cond3A_75 : i32
      scf.if %cond3A_76 {
        %dma_wait3A_142 = arith.constant 4096 : i32
        %dma_wait3A_143 = tpu.memref_slice %arg7[%dma_wait3A_142] : memref<8192xf32, #tpu.memory_space<vmem>> -> memref<4096xf32, #tpu.memory_space<vmem>>
        %dma_wait3A_144 = arith.constant 4096 : i32
        %dma_wait3A_145 = tpu.memref_slice %arg4[%add3A_34, %dma_wait3A_144] : memref<416x16384xf32, #tpu.memory_space<hbm>> -> memref<1x4096xf32, #tpu.memory_space<hbm>>
        %dma_wait3A_146 = tpu.memref_squeeze %dma_wait3A_145 : memref<1x4096xf32, #tpu.memory_space<hbm>> -> memref<4096xf32, #tpu.memory_space<hbm>>
        %dma_wait3A_147 = arith.constant 4096 : i32
        %dma_wait3A_148 = tpu.memref_slice %arg4[%add3A_34, %dma_wait3A_147] : memref<416x16384xf32, #tpu.memory_space<hbm>> -> memref<1x4096xf32, #tpu.memory_space<hbm>>
        %dma_wait3A_149 = tpu.memref_squeeze %dma_wait3A_148 : memref<1x4096xf32, #tpu.memory_space<hbm>> -> memref<4096xf32, #tpu.memory_space<hbm>>
        %dma_wait3A_150 = arith.constant 4096 : i32
        %dma_wait3A_151 = tpu.memref_slice %arg7[%dma_wait3A_150] : memref<8192xf32, #tpu.memory_space<vmem>> -> memref<4096xf32, #tpu.memory_space<vmem>>
        tpu.wait_dma2 semaphore(%arg11 : memref<!tpu.dma_semaphore, #tpu.memory_space<semaphore_mem>>) src(%dma_wait3A_151 : memref<4096xf32, #tpu.memory_space<vmem>>) dst(%dma_wait3A_149 : memref<4096xf32, #tpu.memory_space<hbm>>)
      } else {
      }
      %scan3A_77 = arith.constant 0 : i32
      %scan3A_78 = arith.constant 32 : i32
      %scan3A_79 = arith.addi %scan3A_77, %scan3A_78 : i32
      %scan3A_80 = arith.constant 1 : i32
      scf.for %scan3A_142 = %scan3A_77 to %scan3A_79 step %scan3A_80  : i32 {
        %mul3A_143 = arith.constant 1 : i32
        %mul3A_144 = arith.muli %scan3A_142, %mul3A_143 : i32
        %add3A_145 = arith.constant 0 : i32
        %add3A_146 = arith.addi %add3A_145, %mul3A_144 : i32
        %mul3A_147 = arith.constant 128 : i32
        %mul3A_148 = arith.muli %add3A_146, %mul3A_147 : i32
        %add3A_149 = arith.constant 4096 : i32
        %add3A_150 = arith.addi %add3A_149, %mul3A_148 : i32
        %mul3A_151 = arith.constant 128 : i32
        %mul3A_152 = arith.muli %add3A_146, %mul3A_151 : i32
        %add3A_153 = arith.constant 4096 : i32
        %add3A_154 = arith.addi %add3A_153, %mul3A_152 : i32
        %add3A_155 = arith.constant 0 : i32
        %add3A_156 = arith.addi %add3A_150, %add3A_155 : i32
        %get3A = arith.index_cast %add3A_156 : i32 to index
        %get3A_157 = tpu.vector_load %arg6[%get3A] {strides = array<i32>} : memref<16384xi32, #tpu.memory_space<vmem>>, vector<16xi32>,
        %add3A_158 = arith.constant 16 : i32
        %add3A_159 = arith.addi %add3A_150, %add3A_158 : i32
        %get3A_160 = arith.index_cast %add3A_159 : i32 to index
        %get3A_161 = tpu.vector_load %arg6[%get3A_160] {strides = array<i32>} : memref<16384xi32, #tpu.memory_space<vmem>>, vector<16xi32>,
        %add3A_162 = arith.constant 32 : i32
        %add3A_163 = arith.addi %add3A_150, %add3A_162 : i32
        %get3A_164 = arith.index_cast %add3A_163 : i32 to index
        %get3A_165 = tpu.vector_load %arg6[%get3A_164] {strides = array<i32>} : memref<16384xi32, #tpu.memory_space<vmem>>, vector<16xi32>,
        %add3A_166 = arith.constant 48 : i32
        %add3A_167 = arith.addi %add3A_150, %add3A_166 : i32
        %get3A_168 = arith.index_cast %add3A_167 : i32 to index
        %get3A_169 = tpu.vector_load %arg6[%get3A_168] {strides = array<i32>} : memref<16384xi32, #tpu.memory_space<vmem>>, vector<16xi32>,
        %add3A_170 = arith.constant 64 : i32
        %add3A_171 = arith.addi %add3A_150, %add3A_170 : i32
        %get3A_172 = arith.index_cast %add3A_171 : i32 to index
        %get3A_173 = tpu.vector_load %arg6[%get3A_172] {strides = array<i32>} : memref<16384xi32, #tpu.memory_space<vmem>>, vector<16xi32>,
        %add3A_174 = arith.constant 80 : i32
        %add3A_175 = arith.addi %add3A_150, %add3A_174 : i32
        %get3A_176 = arith.index_cast %add3A_175 : i32 to index
        %get3A_177 = tpu.vector_load %arg6[%get3A_176] {strides = array<i32>} : memref<16384xi32, #tpu.memory_space<vmem>>, vector<16xi32>,
        %add3A_178 = arith.constant 96 : i32
        %add3A_179 = arith.addi %add3A_150, %add3A_178 : i32
        %get3A_180 = arith.index_cast %add3A_179 : i32 to index
        %get3A_181 = tpu.vector_load %arg6[%get3A_180] {strides = array<i32>} : memref<16384xi32, #tpu.memory_space<vmem>>, vector<16xi32>,
        %add3A_182 = arith.constant 112 : i32
        %add3A_183 = arith.addi %add3A_150, %add3A_182 : i32
        %get3A_184 = arith.index_cast %add3A_183 : i32 to index
        %get3A_185 = tpu.vector_load %arg6[%get3A_184] {strides = array<i32>} : memref<16384xi32, #tpu.memory_space<vmem>>, vector<16xi32>,
        %gather3A = tpu.vector_load_idx %arg5[%get3A_157] : memref<100000xf32, #tpu.memory_space<vmem>>[vector<16xi32>], vector<16xf32>,
        %gather3A_186 = tpu.vector_load_idx %arg5[%get3A_161] : memref<100000xf32, #tpu.memory_space<vmem>>[vector<16xi32>], vector<16xf32>,
        %gather3A_187 = tpu.vector_load_idx %arg5[%get3A_165] : memref<100000xf32, #tpu.memory_space<vmem>>[vector<16xi32>], vector<16xf32>,
        %gather3A_188 = tpu.vector_load_idx %arg5[%get3A_169] : memref<100000xf32, #tpu.memory_space<vmem>>[vector<16xi32>], vector<16xf32>,
        %gather3A_189 = tpu.vector_load_idx %arg5[%get3A_173] : memref<100000xf32, #tpu.memory_space<vmem>>[vector<16xi32>], vector<16xf32>,
        %gather3A_190 = tpu.vector_load_idx %arg5[%get3A_177] : memref<100000xf32, #tpu.memory_space<vmem>>[vector<16xi32>], vector<16xf32>,
        %gather3A_191 = tpu.vector_load_idx %arg5[%get3A_181] : memref<100000xf32, #tpu.memory_space<vmem>>[vector<16xi32>], vector<16xf32>,
        %gather3A_192 = tpu.vector_load_idx %arg5[%get3A_185] : memref<100000xf32, #tpu.memory_space<vmem>>[vector<16xi32>], vector<16xf32>,
        %add3A_193 = arith.constant 0 : i32
        %add3A_194 = arith.addi %add3A_154, %add3A_193 : i32
        %swap3A = arith.index_cast %add3A_194 : i32 to index
        %swap3A_195 = tpu.vector_load %arg7[%swap3A] {strides = array<i32>} : memref<8192xf32, #tpu.memory_space<vmem>>, vector<16xf32>,
        tpu.vector_store %arg7[%swap3A], %gather3A {strides = array<i32>} : memref<8192xf32, #tpu.memory_space<vmem>>, vector<16xf32>,
        %add3A_196 = arith.constant 16 : i32
        %add3A_197 = arith.addi %add3A_154, %add3A_196 : i32
        %swap3A_198 = arith.index_cast %add3A_197 : i32 to index
        %swap3A_199 = tpu.vector_load %arg7[%swap3A_198] {strides = array<i32>} : memref<8192xf32, #tpu.memory_space<vmem>>, vector<16xf32>,
        tpu.vector_store %arg7[%swap3A_198], %gather3A_186 {strides = array<i32>} : memref<8192xf32, #tpu.memory_space<vmem>>, vector<16xf32>,
        %add3A_200 = arith.constant 32 : i32
        %add3A_201 = arith.addi %add3A_154, %add3A_200 : i32
        %swap3A_202 = arith.index_cast %add3A_201 : i32 to index
        %swap3A_203 = tpu.vector_load %arg7[%swap3A_202] {strides = array<i32>} : memref<8192xf32, #tpu.memory_space<vmem>>, vector<16xf32>,
        tpu.vector_store %arg7[%swap3A_202], %gather3A_187 {strides = array<i32>} : memref<8192xf32, #tpu.memory_space<vmem>>, vector<16xf32>,
        %add3A_204 = arith.constant 48 : i32
        %add3A_205 = arith.addi %add3A_154, %add3A_204 : i32
        %swap3A_206 = arith.index_cast %add3A_205 : i32 to index
        %swap3A_207 = tpu.vector_load %arg7[%swap3A_206] {strides = array<i32>} : memref<8192xf32, #tpu.memory_space<vmem>>, vector<16xf32>,
        tpu.vector_store %arg7[%swap3A_206], %gather3A_188 {strides = array<i32>} : memref<8192xf32, #tpu.memory_space<vmem>>, vector<16xf32>,
        %add3A_208 = arith.constant 64 : i32
        %add3A_209 = arith.addi %add3A_154, %add3A_208 : i32
        %swap3A_210 = arith.index_cast %add3A_209 : i32 to index
        %swap3A_211 = tpu.vector_load %arg7[%swap3A_210] {strides = array<i32>} : memref<8192xf32, #tpu.memory_space<vmem>>, vector<16xf32>,
        tpu.vector_store %arg7[%swap3A_210], %gather3A_189 {strides = array<i32>} : memref<8192xf32, #tpu.memory_space<vmem>>, vector<16xf32>,
        %add3A_212 = arith.constant 80 : i32
        %add3A_213 = arith.addi %add3A_154, %add3A_212 : i32
        %swap3A_214 = arith.index_cast %add3A_213 : i32 to index
        %swap3A_215 = tpu.vector_load %arg7[%swap3A_214] {strides = array<i32>} : memref<8192xf32, #tpu.memory_space<vmem>>, vector<16xf32>,
        tpu.vector_store %arg7[%swap3A_214], %gather3A_190 {strides = array<i32>} : memref<8192xf32, #tpu.memory_space<vmem>>, vector<16xf32>,
        %add3A_216 = arith.constant 96 : i32
        %add3A_217 = arith.addi %add3A_154, %add3A_216 : i32
        %swap3A_218 = arith.index_cast %add3A_217 : i32 to index
        %swap3A_219 = tpu.vector_load %arg7[%swap3A_218] {strides = array<i32>} : memref<8192xf32, #tpu.memory_space<vmem>>, vector<16xf32>,
        tpu.vector_store %arg7[%swap3A_218], %gather3A_191 {strides = array<i32>} : memref<8192xf32, #tpu.memory_space<vmem>>, vector<16xf32>,
        %add3A_220 = arith.constant 112 : i32
        %add3A_221 = arith.addi %add3A_154, %add3A_220 : i32
        %swap3A_222 = arith.index_cast %add3A_221 : i32 to index
        %swap3A_223 = tpu.vector_load %arg7[%swap3A_222] {strides = array<i32>} : memref<8192xf32, #tpu.memory_space<vmem>>, vector<16xf32>,
        tpu.vector_store %arg7[%swap3A_222], %gather3A_192 {strides = array<i32>} : memref<8192xf32, #tpu.memory_space<vmem>>, vector<16xf32>,
      }
      %scan3A_81 = arith.constant 32 : i32
      %dma_start3A_82 = arith.constant 4096 : i32
      %dma_start3A_83 = tpu.memref_slice %arg7[%dma_start3A_82] : memref<8192xf32, #tpu.memory_space<vmem>> -> memref<4096xf32, #tpu.memory_space<vmem>>
      %dma_start3A_84 = arith.constant 4096 : i32
      %dma_start3A_85 = tpu.memref_slice %arg4[%add3A_34, %dma_start3A_84] : memref<416x16384xf32, #tpu.memory_space<hbm>> -> memref<1x4096xf32, #tpu.memory_space<hbm>>
      %dma_start3A_86 = tpu.memref_squeeze %dma_start3A_85 : memref<1x4096xf32, #tpu.memory_space<hbm>> -> memref<4096xf32, #tpu.memory_space<hbm>>
      %dma_start3A_87 = arith.constant 4096 : i32
      %dma_start3A_88 = tpu.memref_slice %arg4[%add3A_34, %dma_start3A_87] : memref<416x16384xf32, #tpu.memory_space<hbm>> -> memref<1x4096xf32, #tpu.memory_space<hbm>>
      %dma_start3A_89 = tpu.memref_squeeze %dma_start3A_88 : memref<1x4096xf32, #tpu.memory_space<hbm>> -> memref<4096xf32, #tpu.memory_space<hbm>>
      %dma_start3A_90 = arith.constant 4096 : i32
      %dma_start3A_91 = tpu.memref_slice %arg7[%dma_start3A_90] : memref<8192xf32, #tpu.memory_space<vmem>> -> memref<4096xf32, #tpu.memory_space<vmem>>
      tpu.enqueue_dma source(%dma_start3A_91 : memref<4096xf32, #tpu.memory_space<vmem>>) target(%dma_start3A_89 : memref<4096xf32, #tpu.memory_space<hbm>>) target_semaphore(%arg11 : memref<!tpu.dma_semaphore, #tpu.memory_space<semaphore_mem>>)
      %dma_wait3A_92 = arith.constant 0 : i32
      %dma_wait3A_93 = tpu.memref_slice %arg7[%dma_wait3A_92] : memref<8192xf32, #tpu.memory_space<vmem>> -> memref<4096xf32, #tpu.memory_space<vmem>>
      %dma_wait3A_94 = arith.constant 8192 : i32
      %dma_wait3A_95 = tpu.memref_slice %arg4[%add3A_34, %dma_wait3A_94] : memref<416x16384xf32, #tpu.memory_space<hbm>> -> memref<1x4096xf32, #tpu.memory_space<hbm>>
      %dma_wait3A_96 = tpu.memref_squeeze %dma_wait3A_95 : memref<1x4096xf32, #tpu.memory_space<hbm>> -> memref<4096xf32, #tpu.memory_space<hbm>>
      %dma_wait3A_97 = arith.constant 8192 : i32
      %dma_wait3A_98 = tpu.memref_slice %arg4[%add3A_34, %dma_wait3A_97] : memref<416x16384xf32, #tpu.memory_space<hbm>> -> memref<1x4096xf32, #tpu.memory_space<hbm>>
      %dma_wait3A_99 = tpu.memref_squeeze %dma_wait3A_98 : memref<1x4096xf32, #tpu.memory_space<hbm>> -> memref<4096xf32, #tpu.memory_space<hbm>>
      %dma_wait3A_100 = arith.constant 0 : i32
      %dma_wait3A_101 = tpu.memref_slice %arg7[%dma_wait3A_100] : memref<8192xf32, #tpu.memory_space<vmem>> -> memref<4096xf32, #tpu.memory_space<vmem>>
      tpu.wait_dma2 semaphore(%arg10 : memref<!tpu.dma_semaphore, #tpu.memory_space<semaphore_mem>>) src(%dma_wait3A_101 : memref<4096xf32, #tpu.memory_space<vmem>>) dst(%dma_wait3A_99 : memref<4096xf32, #tpu.memory_space<hbm>>)
      %scan3A_102 = arith.constant 0 : i32
      %scan3A_103 = arith.constant 32 : i32
      %scan3A_104 = arith.addi %scan3A_102, %scan3A_103 : i32
      %scan3A_105 = arith.constant 1 : i32
      scf.for %scan3A_142 = %scan3A_102 to %scan3A_104 step %scan3A_105  : i32 {
        %mul3A_143 = arith.constant 1 : i32
        %mul3A_144 = arith.muli %scan3A_142, %mul3A_143 : i32
        %add3A_145 = arith.constant 0 : i32
        %add3A_146 = arith.addi %add3A_145, %mul3A_144 : i32
        %mul3A_147 = arith.constant 128 : i32
        %mul3A_148 = arith.muli %add3A_146, %mul3A_147 : i32
        %add3A_149 = arith.constant 8192 : i32
        %add3A_150 = arith.addi %add3A_149, %mul3A_148 : i32
        %mul3A_151 = arith.constant 128 : i32
        %mul3A_152 = arith.muli %add3A_146, %mul3A_151 : i32
        %add3A_153 = arith.constant 0 : i32
        %add3A_154 = arith.addi %add3A_153, %mul3A_152 : i32
        %add3A_155 = arith.constant 0 : i32
        %add3A_156 = arith.addi %add3A_150, %add3A_155 : i32
        %get3A = arith.index_cast %add3A_156 : i32 to index
        %get3A_157 = tpu.vector_load %arg6[%get3A] {strides = array<i32>} : memref<16384xi32, #tpu.memory_space<vmem>>, vector<16xi32>,
        %add3A_158 = arith.constant 16 : i32
        %add3A_159 = arith.addi %add3A_150, %add3A_158 : i32
        %get3A_160 = arith.index_cast %add3A_159 : i32 to index
        %get3A_161 = tpu.vector_load %arg6[%get3A_160] {strides = array<i32>} : memref<16384xi32, #tpu.memory_space<vmem>>, vector<16xi32>,
        %add3A_162 = arith.constant 32 : i32
        %add3A_163 = arith.addi %add3A_150, %add3A_162 : i32
        %get3A_164 = arith.index_cast %add3A_163 : i32 to index
        %get3A_165 = tpu.vector_load %arg6[%get3A_164] {strides = array<i32>} : memref<16384xi32, #tpu.memory_space<vmem>>, vector<16xi32>,
        %add3A_166 = arith.constant 48 : i32
        %add3A_167 = arith.addi %add3A_150, %add3A_166 : i32
        %get3A_168 = arith.index_cast %add3A_167 : i32 to index
        %get3A_169 = tpu.vector_load %arg6[%get3A_168] {strides = array<i32>} : memref<16384xi32, #tpu.memory_space<vmem>>, vector<16xi32>,
        %add3A_170 = arith.constant 64 : i32
        %add3A_171 = arith.addi %add3A_150, %add3A_170 : i32
        %get3A_172 = arith.index_cast %add3A_171 : i32 to index
        %get3A_173 = tpu.vector_load %arg6[%get3A_172] {strides = array<i32>} : memref<16384xi32, #tpu.memory_space<vmem>>, vector<16xi32>,
        %add3A_174 = arith.constant 80 : i32
        %add3A_175 = arith.addi %add3A_150, %add3A_174 : i32
        %get3A_176 = arith.index_cast %add3A_175 : i32 to index
        %get3A_177 = tpu.vector_load %arg6[%get3A_176] {strides = array<i32>} : memref<16384xi32, #tpu.memory_space<vmem>>, vector<16xi32>,
        %add3A_178 = arith.constant 96 : i32
        %add3A_179 = arith.addi %add3A_150, %add3A_178 : i32
        %get3A_180 = arith.index_cast %add3A_179 : i32 to index
        %get3A_181 = tpu.vector_load %arg6[%get3A_180] {strides = array<i32>} : memref<16384xi32, #tpu.memory_space<vmem>>, vector<16xi32>,
        %add3A_182 = arith.constant 112 : i32
        %add3A_183 = arith.addi %add3A_150, %add3A_182 : i32
        %get3A_184 = arith.index_cast %add3A_183 : i32 to index
        %get3A_185 = tpu.vector_load %arg6[%get3A_184] {strides = array<i32>} : memref<16384xi32, #tpu.memory_space<vmem>>, vector<16xi32>,
        %gather3A = tpu.vector_load_idx %arg5[%get3A_157] : memref<100000xf32, #tpu.memory_space<vmem>>[vector<16xi32>], vector<16xf32>,
        %gather3A_186 = tpu.vector_load_idx %arg5[%get3A_161] : memref<100000xf32, #tpu.memory_space<vmem>>[vector<16xi32>], vector<16xf32>,
        %gather3A_187 = tpu.vector_load_idx %arg5[%get3A_165] : memref<100000xf32, #tpu.memory_space<vmem>>[vector<16xi32>], vector<16xf32>,
        %gather3A_188 = tpu.vector_load_idx %arg5[%get3A_169] : memref<100000xf32, #tpu.memory_space<vmem>>[vector<16xi32>], vector<16xf32>,
        %gather3A_189 = tpu.vector_load_idx %arg5[%get3A_173] : memref<100000xf32, #tpu.memory_space<vmem>>[vector<16xi32>], vector<16xf32>,
        %gather3A_190 = tpu.vector_load_idx %arg5[%get3A_177] : memref<100000xf32, #tpu.memory_space<vmem>>[vector<16xi32>], vector<16xf32>,
        %gather3A_191 = tpu.vector_load_idx %arg5[%get3A_181] : memref<100000xf32, #tpu.memory_space<vmem>>[vector<16xi32>], vector<16xf32>,
        %gather3A_192 = tpu.vector_load_idx %arg5[%get3A_185] : memref<100000xf32, #tpu.memory_space<vmem>>[vector<16xi32>], vector<16xf32>,
        %add3A_193 = arith.constant 0 : i32
        %add3A_194 = arith.addi %add3A_154, %add3A_193 : i32
        %swap3A = arith.index_cast %add3A_194 : i32 to index
        %swap3A_195 = tpu.vector_load %arg7[%swap3A] {strides = array<i32>} : memref<8192xf32, #tpu.memory_space<vmem>>, vector<16xf32>,
        tpu.vector_store %arg7[%swap3A], %gather3A {strides = array<i32>} : memref<8192xf32, #tpu.memory_space<vmem>>, vector<16xf32>,
        %add3A_196 = arith.constant 16 : i32
        %add3A_197 = arith.addi %add3A_154, %add3A_196 : i32
        %swap3A_198 = arith.index_cast %add3A_197 : i32 to index
        %swap3A_199 = tpu.vector_load %arg7[%swap3A_198] {strides = array<i32>} : memref<8192xf32, #tpu.memory_space<vmem>>, vector<16xf32>,
        tpu.vector_store %arg7[%swap3A_198], %gather3A_186 {strides = array<i32>} : memref<8192xf32, #tpu.memory_space<vmem>>, vector<16xf32>,
        %add3A_200 = arith.constant 32 : i32
        %add3A_201 = arith.addi %add3A_154, %add3A_200 : i32
        %swap3A_202 = arith.index_cast %add3A_201 : i32 to index
        %swap3A_203 = tpu.vector_load %arg7[%swap3A_202] {strides = array<i32>} : memref<8192xf32, #tpu.memory_space<vmem>>, vector<16xf32>,
        tpu.vector_store %arg7[%swap3A_202], %gather3A_187 {strides = array<i32>} : memref<8192xf32, #tpu.memory_space<vmem>>, vector<16xf32>,
        %add3A_204 = arith.constant 48 : i32
        %add3A_205 = arith.addi %add3A_154, %add3A_204 : i32
        %swap3A_206 = arith.index_cast %add3A_205 : i32 to index
        %swap3A_207 = tpu.vector_load %arg7[%swap3A_206] {strides = array<i32>} : memref<8192xf32, #tpu.memory_space<vmem>>, vector<16xf32>,
        tpu.vector_store %arg7[%swap3A_206], %gather3A_188 {strides = array<i32>} : memref<8192xf32, #tpu.memory_space<vmem>>, vector<16xf32>,
        %add3A_208 = arith.constant 64 : i32
        %add3A_209 = arith.addi %add3A_154, %add3A_208 : i32
        %swap3A_210 = arith.index_cast %add3A_209 : i32 to index
        %swap3A_211 = tpu.vector_load %arg7[%swap3A_210] {strides = array<i32>} : memref<8192xf32, #tpu.memory_space<vmem>>, vector<16xf32>,
        tpu.vector_store %arg7[%swap3A_210], %gather3A_189 {strides = array<i32>} : memref<8192xf32, #tpu.memory_space<vmem>>, vector<16xf32>,
        %add3A_212 = arith.constant 80 : i32
        %add3A_213 = arith.addi %add3A_154, %add3A_212 : i32
        %swap3A_214 = arith.index_cast %add3A_213 : i32 to index
        %swap3A_215 = tpu.vector_load %arg7[%swap3A_214] {strides = array<i32>} : memref<8192xf32, #tpu.memory_space<vmem>>, vector<16xf32>,
        tpu.vector_store %arg7[%swap3A_214], %gather3A_190 {strides = array<i32>} : memref<8192xf32, #tpu.memory_space<vmem>>, vector<16xf32>,
        %add3A_216 = arith.constant 96 : i32
        %add3A_217 = arith.addi %add3A_154, %add3A_216 : i32
        %swap3A_218 = arith.index_cast %add3A_217 : i32 to index
        %swap3A_219 = tpu.vector_load %arg7[%swap3A_218] {strides = array<i32>} : memref<8192xf32, #tpu.memory_space<vmem>>, vector<16xf32>,
        tpu.vector_store %arg7[%swap3A_218], %gather3A_191 {strides = array<i32>} : memref<8192xf32, #tpu.memory_space<vmem>>, vector<16xf32>,
        %add3A_220 = arith.constant 112 : i32
        %add3A_221 = arith.addi %add3A_154, %add3A_220 : i32
        %swap3A_222 = arith.index_cast %add3A_221 : i32 to index
        %swap3A_223 = tpu.vector_load %arg7[%swap3A_222] {strides = array<i32>} : memref<8192xf32, #tpu.memory_space<vmem>>, vector<16xf32>,
        tpu.vector_store %arg7[%swap3A_222], %gather3A_192 {strides = array<i32>} : memref<8192xf32, #tpu.memory_space<vmem>>, vector<16xf32>,
      }
      %scan3A_106 = arith.constant 32 : i32
      %dma_start3A_107 = arith.constant 0 : i32
      %dma_start3A_108 = tpu.memref_slice %arg7[%dma_start3A_107] : memref<8192xf32, #tpu.memory_space<vmem>> -> memref<4096xf32, #tpu.memory_space<vmem>>
      %dma_start3A_109 = arith.constant 8192 : i32
      %dma_start3A_110 = tpu.memref_slice %arg4[%add3A_34, %dma_start3A_109] : memref<416x16384xf32, #tpu.memory_space<hbm>> -> memref<1x4096xf32, #tpu.memory_space<hbm>>
      %dma_start3A_111 = tpu.memref_squeeze %dma_start3A_110 : memref<1x4096xf32, #tpu.memory_space<hbm>> -> memref<4096xf32, #tpu.memory_space<hbm>>
      %dma_start3A_112 = arith.constant 8192 : i32
      %dma_start3A_113 = tpu.memref_slice %arg4[%add3A_34, %dma_start3A_112] : memref<416x16384xf32, #tpu.memory_space<hbm>> -> memref<1x4096xf32, #tpu.memory_space<hbm>>
      %dma_start3A_114 = tpu.memref_squeeze %dma_start3A_113 : memref<1x4096xf32, #tpu.memory_space<hbm>> -> memref<4096xf32, #tpu.memory_space<hbm>>
      %dma_start3A_115 = arith.constant 0 : i32
      %dma_start3A_116 = tpu.memref_slice %arg7[%dma_start3A_115] : memref<8192xf32, #tpu.memory_space<vmem>> -> memref<4096xf32, #tpu.memory_space<vmem>>
      tpu.enqueue_dma source(%dma_start3A_116 : memref<4096xf32, #tpu.memory_space<vmem>>) target(%dma_start3A_114 : memref<4096xf32, #tpu.memory_space<hbm>>) target_semaphore(%arg10 : memref<!tpu.dma_semaphore, #tpu.memory_space<semaphore_mem>>)
      %dma_wait3A_117 = arith.constant 4096 : i32
      %dma_wait3A_118 = tpu.memref_slice %arg7[%dma_wait3A_117] : memref<8192xf32, #tpu.memory_space<vmem>> -> memref<4096xf32, #tpu.memory_space<vmem>>
      %dma_wait3A_119 = arith.constant 12288 : i32
      %dma_wait3A_120 = tpu.memref_slice %arg4[%add3A_34, %dma_wait3A_119] : memref<416x16384xf32, #tpu.memory_space<hbm>> -> memref<1x4096xf32, #tpu.memory_space<hbm>>
      %dma_wait3A_121 = tpu.memref_squeeze %dma_wait3A_120 : memref<1x4096xf32, #tpu.memory_space<hbm>> -> memref<4096xf32, #tpu.memory_space<hbm>>
      %dma_wait3A_122 = arith.constant 12288 : i32
      %dma_wait3A_123 = tpu.memref_slice %arg4[%add3A_34, %dma_wait3A_122] : memref<416x16384xf32, #tpu.memory_space<hbm>> -> memref<1x4096xf32, #tpu.memory_space<hbm>>
      %dma_wait3A_124 = tpu.memref_squeeze %dma_wait3A_123 : memref<1x4096xf32, #tpu.memory_space<hbm>> -> memref<4096xf32, #tpu.memory_space<hbm>>
      %dma_wait3A_125 = arith.constant 4096 : i32
      %dma_wait3A_126 = tpu.memref_slice %arg7[%dma_wait3A_125] : memref<8192xf32, #tpu.memory_space<vmem>> -> memref<4096xf32, #tpu.memory_space<vmem>>
      tpu.wait_dma2 semaphore(%arg11 : memref<!tpu.dma_semaphore, #tpu.memory_space<semaphore_mem>>) src(%dma_wait3A_126 : memref<4096xf32, #tpu.memory_space<vmem>>) dst(%dma_wait3A_124 : memref<4096xf32, #tpu.memory_space<hbm>>)
      %scan3A_127 = arith.constant 0 : i32
      %scan3A_128 = arith.constant 32 : i32
      %scan3A_129 = arith.addi %scan3A_127, %scan3A_128 : i32
      %scan3A_130 = arith.constant 1 : i32
      scf.for %scan3A_142 = %scan3A_127 to %scan3A_129 step %scan3A_130  : i32 {
        %mul3A_143 = arith.constant 1 : i32
        %mul3A_144 = arith.muli %scan3A_142, %mul3A_143 : i32
        %add3A_145 = arith.constant 0 : i32
        %add3A_146 = arith.addi %add3A_145, %mul3A_144 : i32
        %mul3A_147 = arith.constant 128 : i32
        %mul3A_148 = arith.muli %add3A_146, %mul3A_147 : i32
        %add3A_149 = arith.constant 12288 : i32
        %add3A_150 = arith.addi %add3A_149, %mul3A_148 : i32
        %mul3A_151 = arith.constant 128 : i32
        %mul3A_152 = arith.muli %add3A_146, %mul3A_151 : i32
        %add3A_153 = arith.constant 4096 : i32
        %add3A_154 = arith.addi %add3A_153, %mul3A_152 : i32
        %add3A_155 = arith.constant 0 : i32
        %add3A_156 = arith.addi %add3A_150, %add3A_155 : i32
        %get3A = arith.index_cast %add3A_156 : i32 to index
        %get3A_157 = tpu.vector_load %arg6[%get3A] {strides = array<i32>} : memref<16384xi32, #tpu.memory_space<vmem>>, vector<16xi32>,
        %add3A_158 = arith.constant 16 : i32
        %add3A_159 = arith.addi %add3A_150, %add3A_158 : i32
        %get3A_160 = arith.index_cast %add3A_159 : i32 to index
        %get3A_161 = tpu.vector_load %arg6[%get3A_160] {strides = array<i32>} : memref<16384xi32, #tpu.memory_space<vmem>>, vector<16xi32>,
        %add3A_162 = arith.constant 32 : i32
        %add3A_163 = arith.addi %add3A_150, %add3A_162 : i32
        %get3A_164 = arith.index_cast %add3A_163 : i32 to index
        %get3A_165 = tpu.vector_load %arg6[%get3A_164] {strides = array<i32>} : memref<16384xi32, #tpu.memory_space<vmem>>, vector<16xi32>,
        %add3A_166 = arith.constant 48 : i32
        %add3A_167 = arith.addi %add3A_150, %add3A_166 : i32
        %get3A_168 = arith.index_cast %add3A_167 : i32 to index
        %get3A_169 = tpu.vector_load %arg6[%get3A_168] {strides = array<i32>} : memref<16384xi32, #tpu.memory_space<vmem>>, vector<16xi32>,
        %add3A_170 = arith.constant 64 : i32
        %add3A_171 = arith.addi %add3A_150, %add3A_170 : i32
        %get3A_172 = arith.index_cast %add3A_171 : i32 to index
        %get3A_173 = tpu.vector_load %arg6[%get3A_172] {strides = array<i32>} : memref<16384xi32, #tpu.memory_space<vmem>>, vector<16xi32>,
        %add3A_174 = arith.constant 80 : i32
        %add3A_175 = arith.addi %add3A_150, %add3A_174 : i32
        %get3A_176 = arith.index_cast %add3A_175 : i32 to index
        %get3A_177 = tpu.vector_load %arg6[%get3A_176] {strides = array<i32>} : memref<16384xi32, #tpu.memory_space<vmem>>, vector<16xi32>,
        %add3A_178 = arith.constant 96 : i32
        %add3A_179 = arith.addi %add3A_150, %add3A_178 : i32
        %get3A_180 = arith.index_cast %add3A_179 : i32 to index
        %get3A_181 = tpu.vector_load %arg6[%get3A_180] {strides = array<i32>} : memref<16384xi32, #tpu.memory_space<vmem>>, vector<16xi32>,
        %add3A_182 = arith.constant 112 : i32
        %add3A_183 = arith.addi %add3A_150, %add3A_182 : i32
        %get3A_184 = arith.index_cast %add3A_183 : i32 to index
        %get3A_185 = tpu.vector_load %arg6[%get3A_184] {strides = array<i32>} : memref<16384xi32, #tpu.memory_space<vmem>>, vector<16xi32>,
        %gather3A = tpu.vector_load_idx %arg5[%get3A_157] : memref<100000xf32, #tpu.memory_space<vmem>>[vector<16xi32>], vector<16xf32>,
        %gather3A_186 = tpu.vector_load_idx %arg5[%get3A_161] : memref<100000xf32, #tpu.memory_space<vmem>>[vector<16xi32>], vector<16xf32>,
        %gather3A_187 = tpu.vector_load_idx %arg5[%get3A_165] : memref<100000xf32, #tpu.memory_space<vmem>>[vector<16xi32>], vector<16xf32>,
        %gather3A_188 = tpu.vector_load_idx %arg5[%get3A_169] : memref<100000xf32, #tpu.memory_space<vmem>>[vector<16xi32>], vector<16xf32>,
        %gather3A_189 = tpu.vector_load_idx %arg5[%get3A_173] : memref<100000xf32, #tpu.memory_space<vmem>>[vector<16xi32>], vector<16xf32>,
        %gather3A_190 = tpu.vector_load_idx %arg5[%get3A_177] : memref<100000xf32, #tpu.memory_space<vmem>>[vector<16xi32>], vector<16xf32>,
        %gather3A_191 = tpu.vector_load_idx %arg5[%get3A_181] : memref<100000xf32, #tpu.memory_space<vmem>>[vector<16xi32>], vector<16xf32>,
        %gather3A_192 = tpu.vector_load_idx %arg5[%get3A_185] : memref<100000xf32, #tpu.memory_space<vmem>>[vector<16xi32>], vector<16xf32>,
        %add3A_193 = arith.constant 0 : i32
        %add3A_194 = arith.addi %add3A_154, %add3A_193 : i32
        %swap3A = arith.index_cast %add3A_194 : i32 to index
        %swap3A_195 = tpu.vector_load %arg7[%swap3A] {strides = array<i32>} : memref<8192xf32, #tpu.memory_space<vmem>>, vector<16xf32>,
        tpu.vector_store %arg7[%swap3A], %gather3A {strides = array<i32>} : memref<8192xf32, #tpu.memory_space<vmem>>, vector<16xf32>,
        %add3A_196 = arith.constant 16 : i32
        %add3A_197 = arith.addi %add3A_154, %add3A_196 : i32
        %swap3A_198 = arith.index_cast %add3A_197 : i32 to index
        %swap3A_199 = tpu.vector_load %arg7[%swap3A_198] {strides = array<i32>} : memref<8192xf32, #tpu.memory_space<vmem>>, vector<16xf32>,
        tpu.vector_store %arg7[%swap3A_198], %gather3A_186 {strides = array<i32>} : memref<8192xf32, #tpu.memory_space<vmem>>, vector<16xf32>,
        %add3A_200 = arith.constant 32 : i32
        %add3A_201 = arith.addi %add3A_154, %add3A_200 : i32
        %swap3A_202 = arith.index_cast %add3A_201 : i32 to index
        %swap3A_203 = tpu.vector_load %arg7[%swap3A_202] {strides = array<i32>} : memref<8192xf32, #tpu.memory_space<vmem>>, vector<16xf32>,
        tpu.vector_store %arg7[%swap3A_202], %gather3A_187 {strides = array<i32>} : memref<8192xf32, #tpu.memory_space<vmem>>, vector<16xf32>,
        %add3A_204 = arith.constant 48 : i32
        %add3A_205 = arith.addi %add3A_154, %add3A_204 : i32
        %swap3A_206 = arith.index_cast %add3A_205 : i32 to index
        %swap3A_207 = tpu.vector_load %arg7[%swap3A_206] {strides = array<i32>} : memref<8192xf32, #tpu.memory_space<vmem>>, vector<16xf32>,
        tpu.vector_store %arg7[%swap3A_206], %gather3A_188 {strides = array<i32>} : memref<8192xf32, #tpu.memory_space<vmem>>, vector<16xf32>,
        %add3A_208 = arith.constant 64 : i32
        %add3A_209 = arith.addi %add3A_154, %add3A_208 : i32
        %swap3A_210 = arith.index_cast %add3A_209 : i32 to index
        %swap3A_211 = tpu.vector_load %arg7[%swap3A_210] {strides = array<i32>} : memref<8192xf32, #tpu.memory_space<vmem>>, vector<16xf32>,
        tpu.vector_store %arg7[%swap3A_210], %gather3A_189 {strides = array<i32>} : memref<8192xf32, #tpu.memory_space<vmem>>, vector<16xf32>,
        %add3A_212 = arith.constant 80 : i32
        %add3A_213 = arith.addi %add3A_154, %add3A_212 : i32
        %swap3A_214 = arith.index_cast %add3A_213 : i32 to index
        %swap3A_215 = tpu.vector_load %arg7[%swap3A_214] {strides = array<i32>} : memref<8192xf32, #tpu.memory_space<vmem>>, vector<16xf32>,
        tpu.vector_store %arg7[%swap3A_214], %gather3A_190 {strides = array<i32>} : memref<8192xf32, #tpu.memory_space<vmem>>, vector<16xf32>,
        %add3A_216 = arith.constant 96 : i32
        %add3A_217 = arith.addi %add3A_154, %add3A_216 : i32
        %swap3A_218 = arith.index_cast %add3A_217 : i32 to index
        %swap3A_219 = tpu.vector_load %arg7[%swap3A_218] {strides = array<i32>} : memref<8192xf32, #tpu.memory_space<vmem>>, vector<16xf32>,
        tpu.vector_store %arg7[%swap3A_218], %gather3A_191 {strides = array<i32>} : memref<8192xf32, #tpu.memory_space<vmem>>, vector<16xf32>,
        %add3A_220 = arith.constant 112 : i32
        %add3A_221 = arith.addi %add3A_154, %add3A_220 : i32
        %swap3A_222 = arith.index_cast %add3A_221 : i32 to index
        %swap3A_223 = tpu.vector_load %arg7[%swap3A_222] {strides = array<i32>} : memref<8192xf32, #tpu.memory_space<vmem>>, vector<16xf32>,
        tpu.vector_store %arg7[%swap3A_222], %gather3A_192 {strides = array<i32>} : memref<8192xf32, #tpu.memory_space<vmem>>, vector<16xf32>,
      }
      %scan3A_131 = arith.constant 32 : i32
      %dma_start3A_132 = arith.constant 4096 : i32
      %dma_start3A_133 = tpu.memref_slice %arg7[%dma_start3A_132] : memref<8192xf32, #tpu.memory_space<vmem>> -> memref<4096xf32, #tpu.memory_space<vmem>>
      %dma_start3A_134 = arith.constant 12288 : i32
      %dma_start3A_135 = tpu.memref_slice %arg4[%add3A_34, %dma_start3A_134] : memref<416x16384xf32, #tpu.memory_space<hbm>> -> memref<1x4096xf32, #tpu.memory_space<hbm>>
      %dma_start3A_136 = tpu.memref_squeeze %dma_start3A_135 : memref<1x4096xf32, #tpu.memory_space<hbm>> -> memref<4096xf32, #tpu.memory_space<hbm>>
      %dma_start3A_137 = arith.constant 12288 : i32
      %dma_start3A_138 = tpu.memref_slice %arg4[%add3A_34, %dma_start3A_137] : memref<416x16384xf32, #tpu.memory_space<hbm>> -> memref<1x4096xf32, #tpu.memory_space<hbm>>
      %dma_start3A_139 = tpu.memref_squeeze %dma_start3A_138 : memref<1x4096xf32, #tpu.memory_space<hbm>> -> memref<4096xf32, #tpu.memory_space<hbm>>
      %dma_start3A_140 = arith.constant 4096 : i32
      %dma_start3A_141 = tpu.memref_slice %arg7[%dma_start3A_140] : memref<8192xf32, #tpu.memory_space<vmem>> -> memref<4096xf32, #tpu.memory_space<vmem>>
      tpu.enqueue_dma source(%dma_start3A_141 : memref<4096xf32, #tpu.memory_space<vmem>>) target(%dma_start3A_139 : memref<4096xf32, #tpu.memory_space<hbm>>) target_semaphore(%arg11 : memref<!tpu.dma_semaphore, #tpu.memory_space<semaphore_mem>>)
    }
    %scan3A_6 = arith.constant 13 : i32
    %add3A_7 = arith.constant 13 : i32
    %add3A_8 = arith.addi %mul3A_2, %add3A_7 : i32
    %sub3A = arith.constant 1 : i32
    %sub3A_9 = arith.subi %add3A_8, %sub3A : i32
    %dma_wait3A = arith.constant 0 : i32
    %dma_wait3A_10 = tpu.memref_slice %arg7[%dma_wait3A] : memref<8192xf32, #tpu.memory_space<vmem>> -> memref<4096xf32, #tpu.memory_space<vmem>>
    %dma_wait3A_11 = arith.constant 8192 : i32
    %dma_wait3A_12 = tpu.memref_slice %arg4[%sub3A_9, %dma_wait3A_11] : memref<416x16384xf32, #tpu.memory_space<hbm>> -> memref<1x4096xf32, #tpu.memory_space<hbm>>
    %dma_wait3A_13 = tpu.memref_squeeze %dma_wait3A_12 : memref<1x4096xf32, #tpu.memory_space<hbm>> -> memref<4096xf32, #tpu.memory_space<hbm>>
    %dma_wait3A_14 = arith.constant 8192 : i32
    %dma_wait3A_15 = tpu.memref_slice %arg4[%sub3A_9, %dma_wait3A_14] : memref<416x16384xf32, #tpu.memory_space<hbm>> -> memref<1x4096xf32, #tpu.memory_space<hbm>>
    %dma_wait3A_16 = tpu.memref_squeeze %dma_wait3A_15 : memref<1x4096xf32, #tpu.memory_space<hbm>> -> memref<4096xf32, #tpu.memory_space<hbm>>
    %dma_wait3A_17 = arith.constant 0 : i32
    %dma_wait3A_18 = tpu.memref_slice %arg7[%dma_wait3A_17] : memref<8192xf32, #tpu.memory_space<vmem>> -> memref<4096xf32, #tpu.memory_space<vmem>>
    tpu.wait_dma2 semaphore(%arg10 : memref<!tpu.dma_semaphore, #tpu.memory_space<semaphore_mem>>) src(%dma_wait3A_18 : memref<4096xf32, #tpu.memory_space<vmem>>) dst(%dma_wait3A_16 : memref<4096xf32, #tpu.memory_space<hbm>>)
    %dma_wait3A_19 = arith.constant 4096 : i32
    %dma_wait3A_20 = tpu.memref_slice %arg7[%dma_wait3A_19] : memref<8192xf32, #tpu.memory_space<vmem>> -> memref<4096xf32, #tpu.memory_space<vmem>>
    %dma_wait3A_21 = arith.constant 12288 : i32
    %dma_wait3A_22 = tpu.memref_slice %arg4[%sub3A_9, %dma_wait3A_21] : memref<416x16384xf32, #tpu.memory_space<hbm>> -> memref<1x4096xf32, #tpu.memory_space<hbm>>
    %dma_wait3A_23 = tpu.memref_squeeze %dma_wait3A_22 : memref<1x4096xf32, #tpu.memory_space<hbm>> -> memref<4096xf32, #tpu.memory_space<hbm>>
    %dma_wait3A_24 = arith.constant 12288 : i32
    %dma_wait3A_25 = tpu.memref_slice %arg4[%sub3A_9, %dma_wait3A_24] : memref<416x16384xf32, #tpu.memory_space<hbm>> -> memref<1x4096xf32, #tpu.memory_space<hbm>>
    %dma_wait3A_26 = tpu.memref_squeeze %dma_wait3A_25 : memref<1x4096xf32, #tpu.memory_space<hbm>> -> memref<4096xf32, #tpu.memory_space<hbm>>
    %dma_wait3A_27 = arith.constant 4096 : i32
    %dma_wait3A_28 = tpu.memref_slice %arg7[%dma_wait3A_27] : memref<8192xf32, #tpu.memory_space<vmem>> -> memref<4096xf32, #tpu.memory_space<vmem>>
    tpu.wait_dma2 semaphore(%arg11 : memref<!tpu.dma_semaphore, #tpu.memory_space<semaphore_mem>>) src(%dma_wait3A_28 : memref<4096xf32, #tpu.memory_space<vmem>>) dst(%dma_wait3A_26 : memref<4096xf32, #tpu.memory_space<hbm>>)
    return
  }
}

module attributes {stable_mosaic.version = 14 : i64} {
  func.func @_mlp_body(%arg0: i32, %arg1: memref<39x4096xf32, #tpu.memory_space<vmem>>, %arg2: memref<416x4096xf32, #tpu.memory_space<vmem>>, %arg3: memref<256x13xf32, #tpu.memory_space<vmem>>, %arg4: memref<256x416xf32, #tpu.memory_space<vmem>>, %arg5: memref<256x1xf32, #tpu.memory_space<vmem>>, %arg6: memref<128x256xf32, #tpu.memory_space<vmem>>, %arg7: memref<128x1xf32, #tpu.memory_space<vmem>>, %arg8: memref<64x128xf32, #tpu.memory_space<vmem>>, %arg9: memref<64x1xf32, #tpu.memory_space<vmem>>, %arg10: memref<1x416xf32, #tpu.memory_space<vmem>>, %arg11: memref<1x64xf32, #tpu.memory_space<vmem>>, %arg12: memref<1x1xf32, #tpu.memory_space<vmem>>, %arg13: memref<1x4096xf32, #tpu.memory_space<vmem>>) attributes {dimension_semantics = [#tpu.dimension_semantics<arbitrary>], iteration_bounds = array<i64: 4>, scalar_prefetch = 0 : i64, scratch_operands = 0 : i64, tpu.core_type = #tpu.core_type<tc>, window_params = [{transform_indices = @transform_0, window_bounds = array<i64: 39, 4096>}, {transform_indices = @transform_1, window_bounds = array<i64: 416, 4096>}, {pipeline_mode = #tpu.pipeline_mode<synchronous>, transform_indices = @transform_2, window_bounds = array<i64: 256, 13>}, {pipeline_mode = #tpu.pipeline_mode<synchronous>, transform_indices = @transform_3, window_bounds = array<i64: 256, 416>}, {pipeline_mode = #tpu.pipeline_mode<synchronous>, transform_indices = @transform_4, window_bounds = array<i64: 256, 1>}, {pipeline_mode = #tpu.pipeline_mode<synchronous>, transform_indices = @transform_5, window_bounds = array<i64: 128, 256>}, {pipeline_mode = #tpu.pipeline_mode<synchronous>, transform_indices = @transform_6, window_bounds = array<i64: 128, 1>}, {pipeline_mode = #tpu.pipeline_mode<synchronous>, transform_indices = @transform_7, window_bounds = array<i64: 64, 128>}, {pipeline_mode = #tpu.pipeline_mode<synchronous>, transform_indices = @transform_8, window_bounds = array<i64: 64, 1>}, {pipeline_mode = #tpu.pipeline_mode<synchronous>, transform_indices = @transform_9, window_bounds = array<i64: 1, 416>}, {pipeline_mode = #tpu.pipeline_mode<synchronous>, transform_indices = @transform_10, window_bounds = array<i64: 1, 64>}, {pipeline_mode = #tpu.pipeline_mode<synchronous>, transform_indices = @transform_11, window_bounds = array<i64: 1, 1>}, {transform_indices = @transform_12, window_bounds = array<i64: 1, 4096>}]} {
    %get3A = arith.constant 0 : index
    %get3A_0 = arith.constant 0 : index
    %get3A_1 = vector.load %arg1[%get3A, %get3A_0] : memref<39x4096xf32, #tpu.memory_space<vmem>>, vector<13x4096xf32>
    %get3A_2 = arith.constant 0 : index
    %get3A_3 = arith.constant 0 : index
    %get3A_4 = vector.load %arg2[%get3A_2, %get3A_3] : memref<416x4096xf32, #tpu.memory_space<vmem>>, vector<416x4096xf32>
    %get3A_5 = arith.constant 0 : index
    %get3A_6 = arith.constant 0 : index
    %get3A_7 = vector.load %arg3[%get3A_5, %get3A_6] : memref<256x13xf32, #tpu.memory_space<vmem>>, vector<256x13xf32>
    %dot_general3A = arith.constant dense<0.000000e+00> : vector<256x4096xf32>
    %dot_general3A_8 = tpu.matmul %get3A_7, %get3A_1, %dot_general3A {dimension_numbers = #tpu.dot_dimension_numbers<[1], [0], [0], [1], [0, 0, 1, 1], [], []>, transpose_lhs_hint = false} : vector<256x13xf32>, vector<13x4096xf32>, vector<256x4096xf32> -> vector<256x4096xf32>
    %get3A_9 = arith.constant 0 : index
    %get3A_10 = arith.constant 0 : index
    %get3A_11 = vector.load %arg4[%get3A_9, %get3A_10] : memref<256x416xf32, #tpu.memory_space<vmem>>, vector<256x416xf32>
    %dot_general3A_12 = arith.constant dense<0.000000e+00> : vector<256x4096xf32>
    %dot_general3A_13 = tpu.matmul %get3A_11, %get3A_4, %dot_general3A_12 {dimension_numbers = #tpu.dot_dimension_numbers<[1], [0], [0], [1], [0, 0, 1, 1], [], []>, transpose_lhs_hint = false} : vector<256x416xf32>, vector<416x4096xf32>, vector<256x4096xf32> -> vector<256x4096xf32>
    %add3A = arith.addf %dot_general3A_8, %dot_general3A_13 : vector<256x4096xf32>
    %get3A_14 = arith.constant 0 : index
    %get3A_15 = arith.constant 0 : index
    %get3A_16 = vector.load %arg5[%get3A_14, %get3A_15] : memref<256x1xf32, #tpu.memory_space<vmem>>, vector<256x1xf32>
    %add3A_17 = vector.broadcast %get3A_16 : vector<256x1xf32> to vector<256x4096xf32>
    %add3A_18 = arith.addf %add3A, %add3A_17 : vector<256x4096xf32>
    %max3A = arith.constant 0.000000e+00 : f32
    %max3A_19 = vector.broadcast %max3A : f32 to vector<256x4096xf32>
    %max3A_20 = arith.maximumf %add3A_18, %max3A_19 : vector<256x4096xf32>
    %get3A_21 = arith.constant 0 : index
    %get3A_22 = arith.constant 0 : index
    %get3A_23 = vector.load %arg6[%get3A_21, %get3A_22] : memref<128x256xf32, #tpu.memory_space<vmem>>, vector<128x256xf32>
    %dot_general3A_24 = arith.constant dense<0.000000e+00> : vector<128x4096xf32>
    %dot_general3A_25 = tpu.matmul %get3A_23, %max3A_20, %dot_general3A_24 {dimension_numbers = #tpu.dot_dimension_numbers<[1], [0], [0], [1], [0, 0, 1, 1], [], []>, transpose_lhs_hint = false} : vector<128x256xf32>, vector<256x4096xf32>, vector<128x4096xf32> -> vector<128x4096xf32>
    %get3A_26 = arith.constant 0 : index
    %get3A_27 = arith.constant 0 : index
    %get3A_28 = vector.load %arg7[%get3A_26, %get3A_27] : memref<128x1xf32, #tpu.memory_space<vmem>>, vector<128x1xf32>
    %add3A_29 = vector.broadcast %get3A_28 : vector<128x1xf32> to vector<128x4096xf32>
    %add3A_30 = arith.addf %dot_general3A_25, %add3A_29 : vector<128x4096xf32>
    %max3A_31 = arith.constant 0.000000e+00 : f32
    %max3A_32 = vector.broadcast %max3A_31 : f32 to vector<128x4096xf32>
    %max3A_33 = arith.maximumf %add3A_30, %max3A_32 : vector<128x4096xf32>
    %get3A_34 = arith.constant 0 : index
    %get3A_35 = arith.constant 0 : index
    %get3A_36 = vector.load %arg8[%get3A_34, %get3A_35] : memref<64x128xf32, #tpu.memory_space<vmem>>, vector<64x128xf32>
    %dot_general3A_37 = arith.constant dense<0.000000e+00> : vector<64x4096xf32>
    %dot_general3A_38 = tpu.matmul %get3A_36, %max3A_33, %dot_general3A_37 {dimension_numbers = #tpu.dot_dimension_numbers<[1], [0], [0], [1], [0, 0, 1, 1], [], []>, transpose_lhs_hint = false} : vector<64x128xf32>, vector<128x4096xf32>, vector<64x4096xf32> -> vector<64x4096xf32>
    %get3A_39 = arith.constant 0 : index
    %get3A_40 = arith.constant 0 : index
    %get3A_41 = vector.load %arg9[%get3A_39, %get3A_40] : memref<64x1xf32, #tpu.memory_space<vmem>>, vector<64x1xf32>
    %add3A_42 = vector.broadcast %get3A_41 : vector<64x1xf32> to vector<64x4096xf32>
    %add3A_43 = arith.addf %dot_general3A_38, %add3A_42 : vector<64x4096xf32>
    %max3A_44 = arith.constant 0.000000e+00 : f32
    %max3A_45 = vector.broadcast %max3A_44 : f32 to vector<64x4096xf32>
    %max3A_46 = arith.maximumf %add3A_43, %max3A_45 : vector<64x4096xf32>
    %get3A_47 = arith.constant 0 : index
    %get3A_48 = arith.constant 0 : index
    %get3A_49 = vector.load %arg11[%get3A_47, %get3A_48] : memref<1x64xf32, #tpu.memory_space<vmem>>, vector<1x64xf32>
    %dot_general3A_50 = arith.constant dense<0.000000e+00> : vector<1x4096xf32>
    %dot_general3A_51 = tpu.matmul %get3A_49, %max3A_46, %dot_general3A_50 {dimension_numbers = #tpu.dot_dimension_numbers<[1], [0], [0], [1], [0, 0, 1, 1], [], []>, transpose_lhs_hint = false} : vector<1x64xf32>, vector<64x4096xf32>, vector<1x4096xf32> -> vector<1x4096xf32>
    %get3A_52 = arith.constant 0 : index
    %get3A_53 = arith.constant 0 : index
    %get3A_54 = vector.load %arg10[%get3A_52, %get3A_53] : memref<1x416xf32, #tpu.memory_space<vmem>>, vector<1x416xf32>
    %dot_general3A_55 = arith.constant dense<0.000000e+00> : vector<1x4096xf32>
    %dot_general3A_56 = tpu.matmul %get3A_54, %get3A_4, %dot_general3A_55 {dimension_numbers = #tpu.dot_dimension_numbers<[1], [0], [0], [1], [0, 0, 1, 1], [], []>, transpose_lhs_hint = false} : vector<1x416xf32>, vector<416x4096xf32>, vector<1x4096xf32> -> vector<1x4096xf32>
    %add3A_57 = arith.addf %dot_general3A_51, %dot_general3A_56 : vector<1x4096xf32>
    %get3A_58 = arith.constant 0 : index
    %get3A_59 = arith.constant 0 : index
    %get3A_60 = vector.load %arg12[%get3A_58, %get3A_59] : memref<1x1xf32, #tpu.memory_space<vmem>>, vector<1x1xf32>
    %get3A_61 = vector.extract %get3A_60[0, 0] : f32 from vector<1x1xf32>
    %add3A_62 = vector.broadcast %get3A_61 : f32 to vector<1x4096xf32>
    %add3A_63 = arith.addf %add3A_57, %add3A_62 : vector<1x4096xf32>
    %logistic3A = arith.negf %add3A_63 : vector<1x4096xf32>
    %logistic3A_64 = math.exp %logistic3A : vector<1x4096xf32>
    %logistic3A_65 = arith.constant 1.000000e+00 : f32
    %logistic3A_66 = vector.broadcast %logistic3A_65 : f32 to vector<1x4096xf32>
    %logistic3A_67 = arith.addf %logistic3A_66, %logistic3A_64 : vector<1x4096xf32>
    %logistic3A_68 = arith.divf %logistic3A_66, %logistic3A_67 : vector<1x4096xf32>
    %swap3A = arith.constant 0 : index
    %swap3A_69 = arith.constant 0 : index
    %swap3A_70 = vector.load %arg13[%swap3A, %swap3A_69] : memref<1x4096xf32, #tpu.memory_space<vmem>>, vector<1x4096xf32>
    tpu.vector_store %arg13[%swap3A, %swap3A_69], %logistic3A_68 {strides = array<i32>} : memref<1x4096xf32, #tpu.memory_space<vmem>>, vector<1x4096xf32>,
    return
  }
  func.func @transform_0(%arg0: i32) -> (i32, i32) {
    %c0_i32 = arith.constant 0 : i32
    %c0_i32_0 = arith.constant 0 : i32
    return %c0_i32, %arg0 : i32, i32
  }
  func.func @transform_1(%arg0: i32) -> (i32, i32) {
    %c0_i32 = arith.constant 0 : i32
    %c0_i32_0 = arith.constant 0 : i32
    return %c0_i32, %arg0 : i32, i32
  }
  func.func @transform_2(%arg0: i32) -> (i32, i32) {
    %c0_i32 = arith.constant 0 : i32
    %c0_i32_0 = arith.constant 0 : i32
    %c0_i32_1 = arith.constant 0 : i32
    return %c0_i32, %c0_i32_0 : i32, i32
  }
  func.func @transform_3(%arg0: i32) -> (i32, i32) {
    %c0_i32 = arith.constant 0 : i32
    %c0_i32_0 = arith.constant 0 : i32
    %c0_i32_1 = arith.constant 0 : i32
    return %c0_i32, %c0_i32_0 : i32, i32
  }
  func.func @transform_4(%arg0: i32) -> (i32, i32) {
    %c0_i32 = arith.constant 0 : i32
    %c0_i32_0 = arith.constant 0 : i32
    %c0_i32_1 = arith.constant 0 : i32
    return %c0_i32, %c0_i32_0 : i32, i32
  }
  func.func @transform_5(%arg0: i32) -> (i32, i32) {
    %c0_i32 = arith.constant 0 : i32
    %c0_i32_0 = arith.constant 0 : i32
    %c0_i32_1 = arith.constant 0 : i32
    return %c0_i32, %c0_i32_0 : i32, i32
  }
  func.func @transform_6(%arg0: i32) -> (i32, i32) {
    %c0_i32 = arith.constant 0 : i32
    %c0_i32_0 = arith.constant 0 : i32
    %c0_i32_1 = arith.constant 0 : i32
    return %c0_i32, %c0_i32_0 : i32, i32
  }
  func.func @transform_7(%arg0: i32) -> (i32, i32) {
    %c0_i32 = arith.constant 0 : i32
    %c0_i32_0 = arith.constant 0 : i32
    %c0_i32_1 = arith.constant 0 : i32
    return %c0_i32, %c0_i32_0 : i32, i32
  }
  func.func @transform_8(%arg0: i32) -> (i32, i32) {
    %c0_i32 = arith.constant 0 : i32
    %c0_i32_0 = arith.constant 0 : i32
    %c0_i32_1 = arith.constant 0 : i32
    return %c0_i32, %c0_i32_0 : i32, i32
  }
  func.func @transform_9(%arg0: i32) -> (i32, i32) {
    %c0_i32 = arith.constant 0 : i32
    %c0_i32_0 = arith.constant 0 : i32
    %c0_i32_1 = arith.constant 0 : i32
    return %c0_i32, %c0_i32_0 : i32, i32
  }
  func.func @transform_10(%arg0: i32) -> (i32, i32) {
    %c0_i32 = arith.constant 0 : i32
    %c0_i32_0 = arith.constant 0 : i32
    %c0_i32_1 = arith.constant 0 : i32
    return %c0_i32, %c0_i32_0 : i32, i32
  }
  func.func @transform_11(%arg0: i32) -> (i32, i32) {
    %c0_i32 = arith.constant 0 : i32
    %c0_i32_0 = arith.constant 0 : i32
    %c0_i32_1 = arith.constant 0 : i32
    return %c0_i32, %c0_i32_0 : i32, i32
  }
  func.func @transform_12(%arg0: i32) -> (i32, i32) {
    %c0_i32 = arith.constant 0 : i32
    %c0_i32_0 = arith.constant 0 : i32
    return %c0_i32, %arg0 : i32, i32
  }
}

</mosaic_0001>

<sc_bundles>
// kernel: kernel.4.cloned.1.call-start
scs
__scs_entry_jumppad:
0x0: {  	(pc) =	sbr.rel $0x88, $3  }
0x1: {  	(tag) =	ssettag $0x0;
	lr =	simm.s32 $0x1  }
0x2: {  	[smem:$0x3F95] =	sst lr;
	_ =	strace $0xD0000000  }
0x3: {  	_ = 	snop  }
0x4: {  	_ = 	snop  }
0x5: {  	_ = 	snop  }
0x6: {  	_ = 	snop  }
0x7: {  	_ = 	snop  }
__scs_overlays_trampoline_lowered:
0x8: {  	[smem:$0x3FA4] =	sst s0  }
0x9: {  	[smem:$0x3FA5] =	sst s1  }
0xa: {  	[smem:$0x3FA6] =	sst s2  }
0xb: {  	[smem:$0x3FA7] =	sst s3  }
0xc: {  	[smem:$0x3FA8] =	sst s4  }
0xd: {  	[smem:$0x3FA9] =	sst s5  }
0xe: {  	[smem:$0x3FAA] =	sst s6  }
0xf: {  	[smem:$0x3FAB] =	sst s7  }
0x10: {  	[smem:$0x3FAC] =	sst s8  }
0x11: {  	[smem:$0x3FAD] =	sst s9;
	s0 =	simm.s32 @!p0 $0x0  }
0x12: {  	s1 =	sld [smem:$0x3F93];
	s0 =	simm.s32 @p0 $0x1  }
0x13: {  	[smem:$0x3FAE] =	sst s0;
	s0 =	simm.s32 @!p1 $0x0  }
0x14: {  	s2 =	sld [smem:$0x3F92];
	s0 =	simm.s32 @p1 $0x1  }
0x15: {  	[smem:$0x3FAF] =	sst s0;
	s0 =	simm.s32 @!p2 $0x0  }
0x16: {  	s3 =	sld [smem:$0x3FDB];
	s0 =	simm.s32 @p2 $0x1  }
0x17: {  	s4 =	simm.s32 $0x1BF5;
	[smem:$0x3FB1] =	sst s0  }
0x18: {  	s0 =	sld [smem:$0x3F94];
	_ =	swait.ge [sflag:s4], $0x0  }
0x19: {  	s7 =	sld [smem:$0x3F95]  }
0x1a: {  	s8 =	sadd.s32 $0xFFFFE003, lr  }
0x1b: {  	s9 =	sadd.s32 $0xFFFFFEF7, lr;
	s5 =	simm.s32 $0xFFFFFFFF;
	p2 =	slt.u32 s8, $0xFFFFF086  }
0x1c: {  	p1 =	slt.u32 s9, $0xF7A;
	s5 =	simm.s32 @!p2 $0x0  }
0x1d: {  	s5 =	simm.s32 @p1 $0x1;
	p0 =	seq.s32 s7, s2  }
0x1e: {  	s7 =	smul.u32 @!p0 $0xF7A, s2;
	p2 =	seq.s32 @!p0 s5, $0x0  }
0x1f: {  	s9 =	smul.u32 $0xF7A, s1;
	s8 =	simm.s32 @!p0 $0x1BF5;
	p2 =	por !p2, p0  }
0x20: {  	[sflag:s8] =	ssyncset.s32 @!p0 $0xFFFFF086;
	s6 =	sadd.s32 @!p0 s3, s7;
	s7 =	simm.s32 @!p0 $0x108  }
0x21: {  	s3 =	sadd.s32 s3, s9;
	s6 =	sadd.s32 @!p0 $0x88, s6;
	s7 =	simm.s32 @p2 $0x1082  }
0x22: {  	[simem:s7], [sflag:s8] =	dma.local @!p0 [hbm:s6], $0xF7A  }
0x23: {  	s9 =	sor.u32 $0xD0000000, s2;
	s6 =	simm.s32 $0x108;
	_ =	swait.ge @!p0 [sflag:s8], $0x0  }
0x24: {  	s3 =	sadd.s32 $0x88, s3;
	s6 =	simm.s32 @!p1 $0x1082;
	[sflag:s4] =	ssyncset.s32 $0xFFFFF086  }
0x25: {  	[simem:s6], [sflag:s4] =	dma.local [hbm:s3], $0xF7A  }
0x26: {  	[smem:$0x3F95] =	sst s1;
	(tag) =	ssettag s2;
	_ =	strace s9  }
0x27: {  	s1 =	sld [smem:$0x3FA5]  }
0x28: {  	s2 =	sld [smem:$0x3FA6]  }
0x29: {  	s4 =	sld [smem:$0x3FA8]  }
0x2a: {  	p0 =	seq.s32 s5, $0x0;
	s5 =	sld [smem:$0x3FA9]  }
0x2b: {  	s6 =	sld [smem:$0x3FAA]  }
0x2c: {  	s7 =	sld [smem:$0x3FAB]  }
0x2d: {  	s3 =	simm.s32 $0x108;
	s8 =	sld [smem:$0x3FAC]  }
0x2e: {  	s3 =	simm.s32 @!p0 $0x1082;
	s9 =	sld [smem:$0x3FAD]  }
0x2f: {  	lr =	sadd.s32 s0, s3;
	s0 =	sld [smem:$0x3FA4]  }
0x30: {  	s3 =	sld [smem:$0x3FA7]  }
0x31: {  	[smem:$0x3FB0] =	sst s10  }
0x32: {  	s10 =	sld [smem:$0x3FAE];
	_ =	sdelay $0x3  }
0x33: {  	p0 =	seq.s32 s10, $0x1;
	s10 =	sld [smem:$0x3FB0];
	_ =	sdelay $0x3  }
0x34: {  	[smem:$0x3FB0] =	sst s10  }
0x35: {  	s10 =	sld [smem:$0x3FAF];
	_ =	sdelay $0x3  }
0x36: {  	p1 =	seq.s32 s10, $0x1;
	s10 =	sld [smem:$0x3FB0];
	_ =	sdelay $0x3  }
0x37: {  	[smem:$0x3FB0] =	sst s10  }
0x38: {  	s10 =	sld [smem:$0x3FB1]  }
0x39: {  	_ = 	snop;
	(pc) =	sbr.ind lr, $3  }
0x3a: {  	_ = 	snop  }
0x3b: {  	_ = 	snop  }
0x3c: {  	p2 =	seq.s32 s10, $0x1;
	s10 =	sld [smem:$0x3FB0]  }
0x3d: {  	_ =	shalt  }
0x3e: {  	_ =	shalt  }
0x3f: {  	_ =	shalt  }
0x40: {  	_ =	shalt  }
0x41: {  	_ =	shalt  }
0x42: {  	_ =	shalt  }
0x43: {  	_ =	shalt  }
0x44: {  	_ =	shalt  }
0x45: {  	_ =	shalt  }
0x46: {  	_ =	shalt  }
0x47: {  	_ =	shalt  }
0x48: {  	_ =	shalt  }
0x49: {  	_ =	shalt  }
0x4a: {  	_ =	shalt  }
0x4b: {  	_ =	shalt  }
0x4c: {  	_ =	shalt  }
0x4d: {  	_ =	shalt  }
0x4e: {  	_ =	shalt  }
0x4f: {  	_ =	shalt  }
0x50: {  	_ =	shalt  }
0x51: {  	_ =	shalt  }
0x52: {  	_ =	shalt  }
0x53: {  	_ =	shalt  }
0x54: {  	_ =	shalt  }
0x55: {  	_ =	shalt  }
0x56: {  	_ =	shalt  }
0x57: {  	_ =	shalt  }
0x58: {  	_ =	shalt  }
0x59: {  	_ =	shalt  }
0x5a: {  	_ =	shalt  }
0x5b: {  	_ =	shalt  }
0x5c: {  	_ =	shalt  }
0x5d: {  	_ =	shalt  }
0x5e: {  	_ =	shalt  }
0x5f: {  	_ =	shalt  }
0x60: {  	_ =	shalt  }
0x61: {  	_ =	shalt  }
0x62: {  	_ =	shalt  }
0x63: {  	_ =	shalt  }
0x64: {  	_ =	shalt  }
0x65: {  	_ =	shalt  }
0x66: {  	_ =	shalt  }
0x67: {  	_ =	shalt  }
0x68: {  	_ =	shalt  }
0x69: {  	_ =	shalt  }
0x6a: {  	_ =	shalt  }
0x6b: {  	_ =	shalt  }
0x6c: {  	_ =	shalt  }
0x6d: {  	_ =	shalt  }
0x6e: {  	_ =	shalt  }
0x6f: {  	_ =	shalt  }
0x70: {  	_ =	shalt  }
0x71: {  	_ =	shalt  }
0x72: {  	_ =	shalt  }
0x73: {  	_ =	shalt  }
0x74: {  	_ =	shalt  }
0x75: {  	_ =	shalt  }
0x76: {  	_ =	shalt  }
0x77: {  	_ =	shalt  }
0x78: {  	_ =	shalt  }
0x79: {  	_ =	shalt  }
0x7a: {  	_ =	shalt  }
0x7b: {  	_ =	shalt  }
0x7c: {  	_ =	shalt  }
0x7d: {  	_ =	shalt  }
0x7e: {  	_ =	shalt  }
0x7f: {  	_ =	shalt  }
0x80: {  	_ =	shalt  }
0x81: {  	_ =	shalt  }
0x82: {  	_ =	shalt  }
0x83: {  	_ =	shalt  }
0x84: {  	_ =	shalt  }
0x85: {  	_ =	shalt  }
0x86: {  	_ =	shalt  }
0x87: {  	_ =	shalt  }
.Lfunc_end0:
.L_simem_size_0:
called_computation_lowered:
.L_overlay_start_0:
0x88: {  	s2 =	sld [smem:$0x3FD9]  }
0x89: {  	s3 =	sld [smem:$0x3FFE];
	_ =	sdelay $0x1  }
0x8a: {  	s1 =	srdreg.scid  }
0x8b: {  	s0 =	sand.u32 $0x1, s1  }
0x8c: {  	s17 =	sshll.u32 s0, $0xA;
	s2 =	sadd.s32 s3, s2  }
0x8d: {  	s2 =	sadd.s32 s2, s17  }
0x8e: {  	[smem:$0x3FBC] =	sst s2  }
0x8f: {  	_ = 	snop  }
0x90: {  	s2 =	sld [smem:$0x3FC8];
	(tm) =	ssettm $0x1  }
0x91: {  	s18 =	sld [smem:$0x3FFB];
	_ =	sdelay $0x3  }
0x92: {  	_ =	strace s18  }
0x93: {  	s3 =	sld [smem:$0x3FFC];
	_ =	sdelay $0x3  }
0x94: {  	_ =	strace s3  }
0x95: {  	s3 =	sld [smem:$0x3FFD];
	_ =	sdelay $0x3  }
0x96: {  	_ =	strace s3  }
0x97: {  	_ =	strace $0x8FFFFFFF  }
0x98: {  	s19 =	sld [smem:$0x3FDB];
	_ =	sdelay $0x1  }
0x99: {  	s4 =	simm.s32 $_scs_section_size  }
0x9a: {  	s5 =	simm.s32 $_size__tile_overlayer_lowered;
	s6 =	simm.s32 $_tile_overlayer_lowered  }
0x9b: {  	s22 =	simm.s32 $0x1BFF;
	s21 =	sshll.u32 s6, $0x1;
	s3 =	sadd.s32 s4, s19  }
0x9c: {  	s7 =	simm.s32 $0x0;
	s20 =	sshll.u32 s5, $0x1;
	s5 =	sadd.s32 s21, s3  }
0x9d: {  	[timem:s7], [sflag:s22] =	dma.local [hbm:s5], s20  }
0x9e: {  	_ =	swait.ge [sflag:s22], s20  }
0x9f: {  	s4 =	ssub.s32 $0x0, s20;
	[sflag:s22] =	ssyncset.done $0x0  }
0xa0: {  	[sflag:s22] =	ssyncadd.s32 s4;
	_ =	sdelay $0x1  }
0xa1: {  	s23 =	simm.s32 $0x1B8B  }
0xa2: {  	_ =	swait.ge [sflag:s23], $0x1  }
0xa3: {  	[sflag:s23] =	ssyncset.done $0x0  }
0xa4: {  	s25 =	simm.s32 $0x1B8E;
	s24 =	sld [smem:$0x3FFE];
	[sflag:s23] =	ssyncadd.s32 $0xFFFFFFFF  }
0xa5: {  	s26 =	simm.s32 $execute0_lowered;
	[smem:$0x3FD2] =	sst s25  }
0xa6: {  	s5 =	sshll.u32 s26, $0x1;
	_ =	strace $0x80000046;
	[dreg:$0x1] =	wrdreg $0xFFFFFFFF  }
0xa7: {  	s28 =	simm.s32 $_size_execute0_lowered;
	s3 =	sadd.s32 s3, s5;
	[dreg:$0x0] =	wrdreg $0x0  }
0xa8: {  	s5 =	sshll.u32 s28, $0x1;
	[dreg:$0x2] =	wrdreg s3  }
0xa9: {  	[dreg:$0x3] =	wrdreg s5  }
0xaa: {  	[dreg:$0x4] =	wrdreg $0xC0  }
0xab: {  	_ =	task [dreg:s7], $0x5FFFF  }
0xac: {  	[dreg:$0x1] =	wrdreg $0xFFFFFFFF  }
0xad: {  	[dreg:$0x0] =	wrdreg $0x60  }
0xae: {  	[dreg:$0x2] =	wrdreg s2  }
0xaf: {  	[dreg:$0x3] =	wrdreg s24  }
0xb0: {  	[dreg:$0x4] =	wrdreg $0x9  }
0xb1: {  	_ =	task.clear_ibuf [dreg:s7], $0x5FFFF;
	_ =	strace $0x90000046  }
0xb2: {  	s29 =	simm.s32 $0x9;
	_ =	strace $0x80000048  }
0xb3: {  	_ =	swait.ge [sflag:s29], $0x1  }
0xb4: {  	[sflag:s29] =	ssyncadd.s32 $0xFFFFFFFF  }
0xb5: {  	_ =	strace $0x90000048  }
0xb6: {  	_ =	sfence  }
0xb7: {  	s30 =	sld [smem:$0x0];
	_ =	sdelay $0x2  }
0xb8: {  	s31 =	sshll.u32 s1, $0xD;
	s1 =	sshrl.u32 s1, $0x2  }
0xb9: {  	s3 =	sand.u32 $0x4000, s31;
	s1 =	sadd.s32 s1, s30  }
0xba: {  	s0 =	sor.u32 s3, s0;
	s1 =	sshll.u32 s1, $0x11  }
0xbb: {  	s0 =	sor.u32 s1, s0  }
0xbc: {  	s0 =	sadd.s32 $0x8F2B, s0  }
0xbd: {  	[sflag:s0] =	ssyncadd.remote.s32 $0x1  }
0xbe: {  	_ =	sfence.sel $0xFFFF  }
0xbf: {  	[dreg:$0x0] =	wrdreg $0xFFFFFFFF;
	(pc) =	sbr.abs _section_cstart, $3  }
0xc0: {  	[dreg:$0x1] =	wrdreg $0xFFFFFFFF  }
0xc1: {  	_ =	task.clear_ibuf [dreg:s7], $0x2FFFF;
	_ =	strace $0x9FFFFFFF  }
0xc2: {  	(tm) =	ssettm $0x7FFFFFFF  }
0xc3: {  	_ =	shalt  }
tec
execute0_lowered:
.L_overlay_start_1:
0x0: {  	(tag) =	ssettag $0x1  }
0x1: {  	s1 =	rddreg [dreg:$0x0]  }
0x2: {  	s9 =	rddreg [dreg:$0x1]  }
0x3: {  	s0 =	rddreg [dreg:$0x2];
	s2 =	simm.s32 $0x0  }
0x4: {  	s3 =	srdreg.scid;
	s12 =	simm.s32 $0x400;
	s13 =	simm.s32 $0x18700  }
0x5: {  	s14 =	simm.s32 $0x2;
	s15 =	simm.s32 $0x1;
	s16 =	simm.s32 $0x1C700  }
0x6: {  	s17 =	simm.s32 $0x1D700;
	s18 =	simm.s32 $0x3;
	s19 =	simm.s32 $0x4  }
0x7: {  	s20 =	simm.s32 $0x0;
	[smem:$0x7FF] =	sst s2;
	s6 =	sand.u32 $0x1, s3  }
0x8: {  	s3 =	stileid.u32;
	s4 =	sadd.s32 $0x1A00, s9;
	s7 =	ssub.s32 $0x2, s6  }
0x9: {  	s5 =	sadd.s32 $0x11A00, s9;
	s10 =	sshll.u32 s3, $0x1;
	s8 =	sshrl.u32 s7, $0x1  }
0xa: {  	_ =	strace $0x80000047;
	s6 =	sor.u32 s6, s10;
	s11 =	ssub.s32 s7, s8  }
0xb: {  	s6 =	smul.u32 $0xD, s6;
	s7 =	sadd.s32 $0x12A00, s9;
	s8 =	sadd.s32 $0x13A00, s9  }
0xc: {  	s9 =	sadd.s32 $0x14A00, s9;
	s10 =	smax.u32 s11, $0x1;
	s11 =	simm.s32 $0x80  }
.LBB2_1:
0xd: {  	s21 =	simm.s32 $0x0  }
.LBB2_2:
0xe: {  	s24 =	sadd.s32 s6, s21  }
0xf: {  	s22 =	sshrl.u32 s24, $0x3  }
0x10: {  	s25 =	sshll.u32 s24, $0x7;
	s26 =	smul.u32 $0xC3800, s22  }
0x11: {  	s23 =	sand.u32 $0x380, s25  }
0x12: {  	s26 =	sor.u32 s23, s26  }
0x13: {  	s26 =	sshrl.u32 s26, $0x3  }
0x14: {  	s31 =	sadd.s32 $0xFFFFFFFF, s24;
	s26 =	sadd.s32 s1, s26  }
0x15: {  	[tilespmem:s2], [sflag:$0x1] =	stream.strided.gather [hbm4b:s26+s11], $0x18700, s12, s11, $0x38;
	[tilespmem:$0x1E700] =	vst v63  }
0x16: {  	p0 =	seq.s32 s21, $0x0;
	s26 =	sxor.u32 s24, s31  }
0x17: {  	p1 =	sgt.u32 @!p0 s26, $0xF  }
0x18: {  	p1 =	por p0, p1  }
.Ltmp0:
0x19: {  	_ = 	snop;
	(pc) =	sbr.rel @p1 .LBB2_4-.Ltmp0, $1  }
0x1a: {  	_ =	sdelay $0x3  }
.Ltmp1:
0x1b: {  	(pc) =	sbr.rel .LBB2_5-.Ltmp1, $4  }
0x1c: {  	_ = 	snop  }
0x1d: {  	_ =	swait.ge [sflag:s15], $0x18700  }
0x1e: {  	[sflag:s15] =	ssyncset.done $0x0  }
0x1f: {  	[sflag:s15] =	ssyncadd.s32 $0xFFFE7900  }
.LBB2_4:
0x20: {  	s24 =	sand.u32 $0x70, s24  }
0x21: {  	s25 =	sand.u32 $0xFFFC000, s25;
	s24 =	sadd.s32 s4, s24  }
0x22: {  	s24 =	sadd.s32 s25, s24  }
0x23: {  	[tilespmem:s13], [sflag:$0x2] =	stream.strided.gather [hbm4b:s24+s11], $0x4000, s12, s11, $0x38;
	[tilespmem:$0x1E700] =	vst v63  }
0x24: {  	_ =	swait.ge [sflag:s14], $0x4000  }
.Ltmp2:
0x25: {  	[sflag:s14] =	ssyncset.done $0x0;
	(pc) =	sbr.rel @p0 .LBB2_6-.Ltmp2, $4  }
0x26: {  	[sflag:s14] =	ssyncadd.s32 $0xFFFFC000  }
0x27: {  	_ =	swait.ge [sflag:s15], $0x18700  }
0x28: {  	[sflag:s15] =	ssyncset.done $0x0  }
0x29: {  	[sflag:s15] =	ssyncadd.s32 $0xFFFE7900  }
.LBB2_5:
0x2a: {  	_ =	swait.ge [sflag:s18], $0x1000  }
0x2b: {  	[sflag:s18] =	ssyncset.done $0x0  }
0x2c: {  	[sflag:s18] =	ssyncadd.s32 $0xFFFFF000  }
.LBB2_6:
0x2d: {  	s24 =	simm.s32 $0x0  }
0x2e: {  	v0 =	vld [tilespmem:s24+$0x18700]  }
0x2f: {  	v1 =	vld [tilespmem:s24+$0x18770]  }
0x30: {  	v2 =	vld [tilespmem:s24+$0x18710]  }
0x31: {  	v3 =	vld [tilespmem:s24+$0x18720]  }
0x32: {  	v4 =	vld [tilespmem:s24+$0x18730]  }
0x33: {  	v7 =	vld [tilespmem:s24+$0x18740]  }
0x34: {  	v8 =	vld [tilespmem:s24+$0x18750]  }
0x35: {  	v9 =	vld [tilespmem:s24+$0x18760]  }
0x36: {  	v10 =	vld.idx.msk [tilespmem:v0+s2+$0x0], $0xffff  }
0x37: {  	v0 =	vld.idx.msk [tilespmem:v1+s2+$0x0], $0xffff  }
0x38: {  	v6 =	vld.idx.msk [tilespmem:v2+s2+$0x0], $0xffff  }
0x39: {  	v5 =	vld.idx.msk [tilespmem:v3+s2+$0x0], $0xffff  }
0x3a: {  	v4 =	vld.idx.msk [tilespmem:v4+s2+$0x0], $0xffff  }
0x3b: {  	v3 =	vld.idx.msk [tilespmem:v7+s2+$0x0], $0xffff  }
0x3c: {  	v2 =	vld.idx.msk [tilespmem:v8+s2+$0x0], $0xffff  }
0x3d: {  	s25 =	simm.s32 $0x80;
	v1 =	vld.idx.msk [tilespmem:v9+s2+$0x0], $0xffff;
	[tilespmem:s24+$0x1C770] =	vst v0  }
0x3e: {  	s26 =	simm.s32 $0x400;
	v0 =	vld [tilespmem:s25+$0x18700];
	[tilespmem:s24+$0x1C700] =	vst v10  }
.LBB2_7:
0x3f: {  	p1 =	sne.s32 s26, $0x3E00;
	v7 =	vld [tilespmem:s25+$0x18770];
	[tilespmem:s24+$0x1C710] =	vst v6  }
0x40: {  	v6 =	vld [tilespmem:s25+$0x18710];
	[tilespmem:s24+$0x1C720] =	vst v5  }
0x41: {  	v5 =	vld [tilespmem:s25+$0x18720];
	[tilespmem:s24+$0x1C730] =	vst v4  }
0x42: {  	v4 =	vld [tilespmem:s25+$0x18730];
	[tilespmem:s24+$0x1C740] =	vst v3  }
0x43: {  	v3 =	vld [tilespmem:s25+$0x18740];
	[tilespmem:s24+$0x1C750] =	vst v2  }
0x44: {  	v2 =	vld [tilespmem:s25+$0x18750];
	[tilespmem:s24+$0x1C760] =	vst v1;
	s24 =	smov.u32 s25  }
0x45: {  	v1 =	vld [tilespmem:s24+$0x18760]  }
0x46: {  	v8 =	vld.idx.msk [tilespmem:v0+s2+$0x0], $0xffff  }
0x47: {  	v0 =	vld.idx.msk [tilespmem:v7+s2+$0x0], $0xffff  }
0x48: {  	v6 =	vld.idx.msk [tilespmem:v6+s2+$0x0], $0xffff  }
0x49: {  	v5 =	vld.idx.msk [tilespmem:v5+s2+$0x0], $0xffff  }
.Ltmp3:
0x4a: {  	v4 =	vld.idx.msk [tilespmem:v4+s2+$0x0], $0xffff;
	(pc) =	sbr.rel @p1 .LBB2_7-.Ltmp3, $4  }
0x4b: {  	v3 =	vld.idx.msk [tilespmem:v3+s2+$0x0], $0xffff  }
0x4c: {  	v2 =	vld.idx.msk [tilespmem:v2+s2+$0x0], $0xffff  }
0x4d: {  	s25 =	sshra.s32 s26, $0x2;
	v1 =	vld.idx.msk [tilespmem:v1+s2+$0x0], $0xffff;
	[tilespmem:s24+$0x1C770] =	vst v0  }
0x4e: {  	s26 =	sadd.s32 $0x200, s26;
	v0 =	vld [tilespmem:s25+$0x18700];
	[tilespmem:s24+$0x1C700] =	vst v8  }
0x4f: {  	_ = 	snop  }
0x50: {  	v7 =	vld [tilespmem:s25+$0x18770];
	[tilespmem:s24+$0x1C710] =	vst v6  }
0x51: {  	v6 =	vld [tilespmem:s25+$0x18710];
	[tilespmem:s24+$0x1C720] =	vst v5  }
0x52: {  	v5 =	vld [tilespmem:s25+$0x18720];
	[tilespmem:s24+$0x1C730] =	vst v4  }
0x53: {  	v4 =	vld [tilespmem:s25+$0x18730];
	[tilespmem:s24+$0x1C740] =	vst v3  }
0x54: {  	v3 =	vld [tilespmem:s25+$0x18740];
	[tilespmem:s24+$0x1C750] =	vst v2  }
0x55: {  	v2 =	vld [tilespmem:s25+$0x18750];
	[tilespmem:s24+$0x1C760] =	vst v1  }
0x56: {  	v1 =	vld [tilespmem:s25+$0x18760]  }
0x57: {  	v0 =	vld.idx.msk [tilespmem:v0+s2+$0x0], $0xffff  }
0x58: {  	v7 =	vld.idx.msk [tilespmem:v7+s2+$0x0], $0xffff  }
0x59: {  	v6 =	vld.idx.msk [tilespmem:v6+s2+$0x0], $0xffff  }
0x5a: {  	v5 =	vld.idx.msk [tilespmem:v5+s2+$0x0], $0xffff  }
0x5b: {  	v4 =	vld.idx.msk [tilespmem:v4+s2+$0x0], $0xffff  }
0x5c: {  	v3 =	vld.idx.msk [tilespmem:v3+s2+$0x0], $0xffff  }
0x5d: {  	v2 =	vld.idx.msk [tilespmem:v2+s2+$0x0], $0xffff  }
0x5e: {  	v1 =	vld.idx.msk [tilespmem:v1+s2+$0x0], $0xffff;
	[tilespmem:s25+$0x1C770] =	vst v7  }
0x5f: {  	[tilespmem:s25+$0x1C700] =	vst v0  }
0x60: {  	[tilespmem:s25+$0x1C710] =	vst v6  }
0x61: {  	[tilespmem:s25+$0x1C720] =	vst v5  }
0x62: {  	s22 =	sshll.u32 s22, $0x11;
	[tilespmem:s25+$0x1C730] =	vst v4  }
0x63: {  	s22 =	sor.u32 s23, s22;
	[tilespmem:s25+$0x1C740] =	vst v3  }
0x64: {  	s22 =	sshrl.u32 s22, $0x3;
	[tilespmem:s25+$0x1C750] =	vst v2  }
0x65: {  	s23 =	simm.s32 @!p0 $0x4;
	s31 =	sadd.s32 s5, s22;
	[tilespmem:s25+$0x1C760] =	vst v1  }
0x66: {  	[hbm4b:s31+s11] =	stream.strided.scatter [tilespmem:s16], [sflag:$0x3], $0x1000, s12, s11, $0x38;
	[tilespmem:$0x1E700] =	vst v63  }
0x67: {  	_ =	swait.ge @!p0 [sflag:s23], $0x1000  }
0x68: {  	[sflag:s23] =	ssyncset.done @!p0 $0x0  }
0x69: {  	[sflag:s23] =	ssyncadd.s32 @!p0 $0xFFFFF000;
	s23 =	simm.s32 $0x0  }
0x6a: {  	v0 =	vld [tilespmem:s23+$0x19700]  }
0x6b: {  	v1 =	vld [tilespmem:s23+$0x19770]  }
0x6c: {  	v2 =	vld [tilespmem:s23+$0x19710]  }
0x6d: {  	v3 =	vld [tilespmem:s23+$0x19720]  }
0x6e: {  	v4 =	vld [tilespmem:s23+$0x19730]  }
0x6f: {  	v7 =	vld [tilespmem:s23+$0x19740]  }
0x70: {  	v8 =	vld [tilespmem:s23+$0x19750]  }
0x71: {  	v9 =	vld [tilespmem:s23+$0x19760]  }
0x72: {  	v10 =	vld.idx.msk [tilespmem:v0+s2+$0x0], $0xffff  }
0x73: {  	v0 =	vld.idx.msk [tilespmem:v1+s2+$0x0], $0xffff  }
0x74: {  	v6 =	vld.idx.msk [tilespmem:v2+s2+$0x0], $0xffff  }
0x75: {  	v5 =	vld.idx.msk [tilespmem:v3+s2+$0x0], $0xffff  }
0x76: {  	v4 =	vld.idx.msk [tilespmem:v4+s2+$0x0], $0xffff  }
0x77: {  	v3 =	vld.idx.msk [tilespmem:v7+s2+$0x0], $0xffff  }
0x78: {  	v2 =	vld.idx.msk [tilespmem:v8+s2+$0x0], $0xffff  }
0x79: {  	s24 =	simm.s32 $0x80;
	v1 =	vld.idx.msk [tilespmem:v9+s2+$0x0], $0xffff;
	[tilespmem:s23+$0x1D770] =	vst v0  }
0x7a: {  	s25 =	simm.s32 $0x400;
	v0 =	vld [tilespmem:s24+$0x19700];
	[tilespmem:s23+$0x1D700] =	vst v10  }
.LBB2_9:
0x7b: {  	p0 =	sne.s32 s25, $0x3E00;
	v7 =	vld [tilespmem:s24+$0x19770];
	[tilespmem:s23+$0x1D710] =	vst v6  }
0x7c: {  	v6 =	vld [tilespmem:s24+$0x19710];
	[tilespmem:s23+$0x1D720] =	vst v5  }
0x7d: {  	v5 =	vld [tilespmem:s24+$0x19720];
	[tilespmem:s23+$0x1D730] =	vst v4  }
0x7e: {  	v4 =	vld [tilespmem:s24+$0x19730];
	[tilespmem:s23+$0x1D740] =	vst v3  }
0x7f: {  	v3 =	vld [tilespmem:s24+$0x19740];
	[tilespmem:s23+$0x1D750] =	vst v2  }
0x80: {  	v2 =	vld [tilespmem:s24+$0x19750];
	[tilespmem:s23+$0x1D760] =	vst v1;
	s23 =	smov.u32 s24  }
0x81: {  	v1 =	vld [tilespmem:s23+$0x19760]  }
0x82: {  	v8 =	vld.idx.msk [tilespmem:v0+s2+$0x0], $0xffff  }
0x83: {  	v0 =	vld.idx.msk [tilespmem:v7+s2+$0x0], $0xffff  }
0x84: {  	v6 =	vld.idx.msk [tilespmem:v6+s2+$0x0], $0xffff  }
0x85: {  	v5 =	vld.idx.msk [tilespmem:v5+s2+$0x0], $0xffff  }
.Ltmp4:
0x86: {  	v4 =	vld.idx.msk [tilespmem:v4+s2+$0x0], $0xffff;
	(pc) =	sbr.rel @p0 .LBB2_9-.Ltmp4, $4  }
0x87: {  	v3 =	vld.idx.msk [tilespmem:v3+s2+$0x0], $0xffff  }
0x88: {  	v2 =	vld.idx.msk [tilespmem:v2+s2+$0x0], $0xffff  }
0x89: {  	s24 =	sshra.s32 s25, $0x2;
	v1 =	vld.idx.msk [tilespmem:v1+s2+$0x0], $0xffff;
	[tilespmem:s23+$0x1D770] =	vst v0  }
0x8a: {  	s25 =	sadd.s32 $0x200, s25;
	v0 =	vld [tilespmem:s24+$0x19700];
	[tilespmem:s23+$0x1D700] =	vst v8  }
0x8b: {  	_ = 	snop  }
0x8c: {  	v7 =	vld [tilespmem:s24+$0x19770];
	[tilespmem:s23+$0x1D710] =	vst v6  }
0x8d: {  	v6 =	vld [tilespmem:s24+$0x19710];
	[tilespmem:s23+$0x1D720] =	vst v5  }
0x8e: {  	v5 =	vld [tilespmem:s24+$0x19720];
	[tilespmem:s23+$0x1D730] =	vst v4  }
0x8f: {  	v4 =	vld [tilespmem:s24+$0x19730];
	[tilespmem:s23+$0x1D740] =	vst v3  }
0x90: {  	v3 =	vld [tilespmem:s24+$0x19740];
	[tilespmem:s23+$0x1D750] =	vst v2  }
0x91: {  	v2 =	vld [tilespmem:s24+$0x19750];
	[tilespmem:s23+$0x1D760] =	vst v1  }
0x92: {  	v1 =	vld [tilespmem:s24+$0x19760]  }
0x93: {  	v0 =	vld.idx.msk [tilespmem:v0+s2+$0x0], $0xffff  }
0x94: {  	v7 =	vld.idx.msk [tilespmem:v7+s2+$0x0], $0xffff  }
0x95: {  	v6 =	vld.idx.msk [tilespmem:v6+s2+$0x0], $0xffff  }
0x96: {  	v5 =	vld.idx.msk [tilespmem:v5+s2+$0x0], $0xffff  }
0x97: {  	v4 =	vld.idx.msk [tilespmem:v4+s2+$0x0], $0xffff  }
0x98: {  	v3 =	vld.idx.msk [tilespmem:v3+s2+$0x0], $0xffff  }
0x99: {  	v2 =	vld.idx.msk [tilespmem:v2+s2+$0x0], $0xffff  }
0x9a: {  	v1 =	vld.idx.msk [tilespmem:v1+s2+$0x0], $0xffff;
	[tilespmem:s24+$0x1D770] =	vst v7  }
0x9b: {  	[tilespmem:s24+$0x1D700] =	vst v0  }
0x9c: {  	[tilespmem:s24+$0x1D710] =	vst v6  }
0x9d: {  	[tilespmem:s24+$0x1D720] =	vst v5  }
0x9e: {  	[tilespmem:s24+$0x1D730] =	vst v4  }
0x9f: {  	[tilespmem:s24+$0x1D740] =	vst v3  }
0xa0: {  	[tilespmem:s24+$0x1D750] =	vst v2  }
0xa1: {  	s31 =	sadd.s32 s22, s7;
	[tilespmem:s24+$0x1D760] =	vst v1  }
0xa2: {  	[hbm4b:s31+s11] =	stream.strided.scatter [tilespmem:s17], [sflag:$0x4], $0x1000, s12, s11, $0x38;
	[tilespmem:$0x1E700] =	vst v63  }
0xa3: {  	_ =	swait.ge [sflag:s18], $0x1000  }
0xa4: {  	[sflag:s18] =	ssyncset.done $0x0  }
0xa5: {  	s23 =	simm.s32 $0x0;
	[sflag:s18] =	ssyncadd.s32 $0xFFFFF000  }
0xa6: {  	v0 =	vld [tilespmem:s23+$0x1A700]  }
0xa7: {  	v1 =	vld [tilespmem:s23+$0x1A770]  }
0xa8: {  	v2 =	vld [tilespmem:s23+$0x1A710]  }
0xa9: {  	v3 =	vld [tilespmem:s23+$0x1A720]  }
0xaa: {  	v4 =	vld [tilespmem:s23+$0x1A730]  }
0xab: {  	v7 =	vld [tilespmem:s23+$0x1A740]  }
0xac: {  	v8 =	vld [tilespmem:s23+$0x1A750]  }
0xad: {  	v9 =	vld [tilespmem:s23+$0x1A760]  }
0xae: {  	v10 =	vld.idx.msk [tilespmem:v0+s2+$0x0], $0xffff  }
0xaf: {  	v0 =	vld.idx.msk [tilespmem:v1+s2+$0x0], $0xffff  }
0xb0: {  	v6 =	vld.idx.msk [tilespmem:v2+s2+$0x0], $0xffff  }
0xb1: {  	v5 =	vld.idx.msk [tilespmem:v3+s2+$0x0], $0xffff  }
0xb2: {  	v4 =	vld.idx.msk [tilespmem:v4+s2+$0x0], $0xffff  }
0xb3: {  	v3 =	vld.idx.msk [tilespmem:v7+s2+$0x0], $0xffff  }
0xb4: {  	v2 =	vld.idx.msk [tilespmem:v8+s2+$0x0], $0xffff  }
0xb5: {  	s25 =	simm.s32 $0x80;
	v1 =	vld.idx.msk [tilespmem:v9+s2+$0x0], $0xffff;
	[tilespmem:s23+$0x1C770] =	vst v0  }
0xb6: {  	s26 =	simm.s32 $0x400;
	s24 =	sadd.s32 s22, s8;
	v0 =	vld [tilespmem:s25+$0x1A700];
	[tilespmem:s23+$0x1C700] =	vst v10  }
.LBB2_11:
0xb7: {  	p0 =	sne.s32 s26, $0x3E00;
	v7 =	vld [tilespmem:s25+$0x1A770];
	[tilespmem:s23+$0x1C710] =	vst v6  }
0xb8: {  	v6 =	vld [tilespmem:s25+$0x1A710];
	[tilespmem:s23+$0x1C720] =	vst v5  }
0xb9: {  	v5 =	vld [tilespmem:s25+$0x1A720];
	[tilespmem:s23+$0x1C730] =	vst v4  }
0xba: {  	v4 =	vld [tilespmem:s25+$0x1A730];
	[tilespmem:s23+$0x1C740] =	vst v3  }
0xbb: {  	v3 =	vld [tilespmem:s25+$0x1A740];
	[tilespmem:s23+$0x1C750] =	vst v2  }
0xbc: {  	v2 =	vld [tilespmem:s25+$0x1A750];
	[tilespmem:s23+$0x1C760] =	vst v1;
	s23 =	smov.u32 s25  }
0xbd: {  	v1 =	vld [tilespmem:s23+$0x1A760]  }
0xbe: {  	v8 =	vld.idx.msk [tilespmem:v0+s2+$0x0], $0xffff  }
0xbf: {  	v0 =	vld.idx.msk [tilespmem:v7+s2+$0x0], $0xffff  }
0xc0: {  	v6 =	vld.idx.msk [tilespmem:v6+s2+$0x0], $0xffff  }
0xc1: {  	v5 =	vld.idx.msk [tilespmem:v5+s2+$0x0], $0xffff  }
.Ltmp5:
0xc2: {  	v4 =	vld.idx.msk [tilespmem:v4+s2+$0x0], $0xffff;
	(pc) =	sbr.rel @p0 .LBB2_11-.Ltmp5, $4  }
0xc3: {  	v3 =	vld.idx.msk [tilespmem:v3+s2+$0x0], $0xffff  }
0xc4: {  	v2 =	vld.idx.msk [tilespmem:v2+s2+$0x0], $0xffff  }
0xc5: {  	s25 =	sshra.s32 s26, $0x2;
	v1 =	vld.idx.msk [tilespmem:v1+s2+$0x0], $0xffff;
	[tilespmem:s23+$0x1C770] =	vst v0  }
0xc6: {  	s26 =	sadd.s32 $0x200, s26;
	v0 =	vld [tilespmem:s25+$0x1A700];
	[tilespmem:s23+$0x1C700] =	vst v8  }
0xc7: {  	_ = 	snop  }
0xc8: {  	v7 =	vld [tilespmem:s25+$0x1A770];
	[tilespmem:s23+$0x1C710] =	vst v6  }
0xc9: {  	v6 =	vld [tilespmem:s25+$0x1A710];
	[tilespmem:s23+$0x1C720] =	vst v5  }
0xca: {  	v5 =	vld [tilespmem:s25+$0x1A720];
	[tilespmem:s23+$0x1C730] =	vst v4  }
0xcb: {  	v4 =	vld [tilespmem:s25+$0x1A730];
	[tilespmem:s23+$0x1C740] =	vst v3  }
0xcc: {  	v3 =	vld [tilespmem:s25+$0x1A740];
	[tilespmem:s23+$0x1C750] =	vst v2  }
0xcd: {  	v2 =	vld [tilespmem:s25+$0x1A750];
	[tilespmem:s23+$0x1C760] =	vst v1  }
0xce: {  	v1 =	vld [tilespmem:s25+$0x1A760]  }
0xcf: {  	v0 =	vld.idx.msk [tilespmem:v0+s2+$0x0], $0xffff  }
0xd0: {  	v7 =	vld.idx.msk [tilespmem:v7+s2+$0x0], $0xffff  }
0xd1: {  	v6 =	vld.idx.msk [tilespmem:v6+s2+$0x0], $0xffff  }
0xd2: {  	v5 =	vld.idx.msk [tilespmem:v5+s2+$0x0], $0xffff  }
0xd3: {  	v4 =	vld.idx.msk [tilespmem:v4+s2+$0x0], $0xffff  }
0xd4: {  	v3 =	vld.idx.msk [tilespmem:v3+s2+$0x0], $0xffff  }
0xd5: {  	v2 =	vld.idx.msk [tilespmem:v2+s2+$0x0], $0xffff  }
0xd6: {  	v1 =	vld.idx.msk [tilespmem:v1+s2+$0x0], $0xffff;
	[tilespmem:s25+$0x1C770] =	vst v7  }
0xd7: {  	[tilespmem:s25+$0x1C700] =	vst v0  }
0xd8: {  	[tilespmem:s25+$0x1C710] =	vst v6  }
0xd9: {  	[tilespmem:s25+$0x1C720] =	vst v5  }
0xda: {  	[tilespmem:s25+$0x1C730] =	vst v4  }
0xdb: {  	[tilespmem:s25+$0x1C740] =	vst v3  }
0xdc: {  	[tilespmem:s25+$0x1C750] =	vst v2  }
0xdd: {  	[tilespmem:s25+$0x1C760] =	vst v1  }
0xde: {  	[hbm4b:s24+s11] =	stream.strided.scatter [tilespmem:s16], [sflag:$0x3], $0x1000, s12, s11, $0x38;
	[tilespmem:$0x1E700] =	vst v63  }
0xdf: {  	_ =	swait.ge [sflag:s19], $0x1000  }
0xe0: {  	[sflag:s19] =	ssyncset.done $0x0  }
0xe1: {  	s23 =	simm.s32 $0x0;
	[sflag:s19] =	ssyncadd.s32 $0xFFFFF000  }
0xe2: {  	v0 =	vld [tilespmem:s23+$0x1B700]  }
0xe3: {  	v1 =	vld [tilespmem:s23+$0x1B770]  }
0xe4: {  	v2 =	vld [tilespmem:s23+$0x1B710]  }
0xe5: {  	v3 =	vld [tilespmem:s23+$0x1B720]  }
0xe6: {  	v4 =	vld [tilespmem:s23+$0x1B730]  }
0xe7: {  	v7 =	vld [tilespmem:s23+$0x1B740]  }
0xe8: {  	v8 =	vld [tilespmem:s23+$0x1B750]  }
0xe9: {  	v9 =	vld [tilespmem:s23+$0x1B760]  }
0xea: {  	v10 =	vld.idx.msk [tilespmem:v0+s2+$0x0], $0xffff  }
0xeb: {  	v0 =	vld.idx.msk [tilespmem:v1+s2+$0x0], $0xffff  }
0xec: {  	v6 =	vld.idx.msk [tilespmem:v2+s2+$0x0], $0xffff  }
0xed: {  	v5 =	vld.idx.msk [tilespmem:v3+s2+$0x0], $0xffff  }
0xee: {  	v4 =	vld.idx.msk [tilespmem:v4+s2+$0x0], $0xffff  }
0xef: {  	v3 =	vld.idx.msk [tilespmem:v7+s2+$0x0], $0xffff  }
0xf0: {  	v2 =	vld.idx.msk [tilespmem:v8+s2+$0x0], $0xffff  }
0xf1: {  	s24 =	simm.s32 $0x80;
	v1 =	vld.idx.msk [tilespmem:v9+s2+$0x0], $0xffff;
	[tilespmem:s23+$0x1D770] =	vst v0  }
0xf2: {  	s22 =	sadd.s32 s22, s9;
	s25 =	simm.s32 $0x400;
	v0 =	vld [tilespmem:s24+$0x1B700];
	[tilespmem:s23+$0x1D700] =	vst v10  }
.LBB2_13:
0xf3: {  	p0 =	sne.s32 s25, $0x3E00;
	v7 =	vld [tilespmem:s24+$0x1B770];
	[tilespmem:s23+$0x1D710] =	vst v6  }
0xf4: {  	v6 =	vld [tilespmem:s24+$0x1B710];
	[tilespmem:s23+$0x1D720] =	vst v5  }
0xf5: {  	v5 =	vld [tilespmem:s24+$0x1B720];
	[tilespmem:s23+$0x1D730] =	vst v4  }
0xf6: {  	v4 =	vld [tilespmem:s24+$0x1B730];
	[tilespmem:s23+$0x1D740] =	vst v3  }
0xf7: {  	v3 =	vld [tilespmem:s24+$0x1B740];
	[tilespmem:s23+$0x1D750] =	vst v2  }
0xf8: {  	v2 =	vld [tilespmem:s24+$0x1B750];
	[tilespmem:s23+$0x1D760] =	vst v1;
	s23 =	smov.u32 s24  }
0xf9: {  	v1 =	vld [tilespmem:s23+$0x1B760]  }
0xfa: {  	v8 =	vld.idx.msk [tilespmem:v0+s2+$0x0], $0xffff  }
0xfb: {  	v0 =	vld.idx.msk [tilespmem:v7+s2+$0x0], $0xffff  }
0xfc: {  	v6 =	vld.idx.msk [tilespmem:v6+s2+$0x0], $0xffff  }
0xfd: {  	v5 =	vld.idx.msk [tilespmem:v5+s2+$0x0], $0xffff  }
.Ltmp6:
0xfe: {  	v4 =	vld.idx.msk [tilespmem:v4+s2+$0x0], $0xffff;
	(pc) =	sbr.rel @p0 .LBB2_13-.Ltmp6, $4  }
0xff: {  	v3 =	vld.idx.msk [tilespmem:v3+s2+$0x0], $0xffff  }
0x100: {  	v2 =	vld.idx.msk [tilespmem:v2+s2+$0x0], $0xffff  }
0x101: {  	s24 =	sshra.s32 s25, $0x2;
	v1 =	vld.idx.msk [tilespmem:v1+s2+$0x0], $0xffff;
	[tilespmem:s23+$0x1D770] =	vst v0  }
0x102: {  	s25 =	sadd.s32 $0x200, s25;
	v0 =	vld [tilespmem:s24+$0x1B700];
	[tilespmem:s23+$0x1D700] =	vst v8  }
0x103: {  	_ = 	snop  }
0x104: {  	v7 =	vld [tilespmem:s24+$0x1B770];
	[tilespmem:s23+$0x1D710] =	vst v6  }
0x105: {  	v6 =	vld [tilespmem:s24+$0x1B710];
	[tilespmem:s23+$0x1D720] =	vst v5  }
0x106: {  	v5 =	vld [tilespmem:s24+$0x1B720];
	[tilespmem:s23+$0x1D730] =	vst v4  }
0x107: {  	v4 =	vld [tilespmem:s24+$0x1B730];
	[tilespmem:s23+$0x1D740] =	vst v3  }
0x108: {  	v3 =	vld [tilespmem:s24+$0x1B740];
	[tilespmem:s23+$0x1D750] =	vst v2  }
0x109: {  	v2 =	vld [tilespmem:s24+$0x1B750];
	[tilespmem:s23+$0x1D760] =	vst v1  }
0x10a: {  	v1 =	vld [tilespmem:s24+$0x1B760]  }
0x10b: {  	v0 =	vld.idx.msk [tilespmem:v0+s2+$0x0], $0xffff  }
0x10c: {  	v7 =	vld.idx.msk [tilespmem:v7+s2+$0x0], $0xffff  }
0x10d: {  	v6 =	vld.idx.msk [tilespmem:v6+s2+$0x0], $0xffff  }
0x10e: {  	v5 =	vld.idx.msk [tilespmem:v5+s2+$0x0], $0xffff  }
0x10f: {  	v4 =	vld.idx.msk [tilespmem:v4+s2+$0x0], $0xffff  }
0x110: {  	v3 =	vld.idx.msk [tilespmem:v3+s2+$0x0], $0xffff  }
0x111: {  	v2 =	vld.idx.msk [tilespmem:v2+s2+$0x0], $0xffff  }
0x112: {  	v1 =	vld.idx.msk [tilespmem:v1+s2+$0x0], $0xffff;
	[tilespmem:s24+$0x1D770] =	vst v7  }
0x113: {  	[tilespmem:s24+$0x1D700] =	vst v0  }
0x114: {  	s21 =	sadd.s32 $0x1, s21;
	[tilespmem:s24+$0x1D710] =	vst v6  }
0x115: {  	p0 =	sne.s32 s21, $0xD;
	[tilespmem:s24+$0x1D720] =	vst v5  }
.Ltmp7:
0x116: {  	[tilespmem:s24+$0x1D730] =	vst v4;
	(pc) =	sbr.rel @p0 .LBB2_2-.Ltmp7, $4  }
0x117: {  	[tilespmem:s24+$0x1D740] =	vst v3  }
0x118: {  	[tilespmem:s24+$0x1D750] =	vst v2  }
0x119: {  	[tilespmem:s24+$0x1D760] =	vst v1  }
0x11a: {  	[hbm4b:s22+s11] =	stream.strided.scatter [tilespmem:s17], [sflag:$0x4], $0x1000, s12, s11, $0x38;
	[tilespmem:$0x1E700] =	vst v63  }
0x11b: {  	s20 =	sadd.s32 $0x1, s20  }
0x11c: {  	_ =	swait.ge [sflag:s18], $0x1000;
	p0 =	sne.s32 s20, s10  }
.Ltmp8:
0x11d: {  	[sflag:s18] =	ssyncset.done $0x0;
	(pc) =	sbr.rel @p0 .LBB2_1-.Ltmp8, $4  }
0x11e: {  	[sflag:s18] =	ssyncadd.s32 $0xFFFFF000  }
0x11f: {  	_ =	swait.ge [sflag:s19], $0x1000  }
0x120: {  	[sflag:s19] =	ssyncset.done $0x0  }
0x121: {  	[sflag:s19] =	ssyncadd.s32 $0xFFFFF000  }
0x122: {  	_ =	sfence.sel $0x180000  }
0x123: {  	[bflag:$0x0] =	sbarrier.arrive $0xFFFF  }
0x124: {  	p0 =	sne.s32 s3, $0x0;
	_ =	strace $0x90000047  }
0x125: {  	s0 =	sadd.s32 @!p0 $0x100000, s0;
	[bflag:$0x2] =	sbarrier.arrive $0xFFFF  }
0x126: {  	[sflag:s0] =	ssyncadd.tile.s32 @!p0 $0x1;
	_ =	shalt  }
.Lfunc_end2:
_tile_overlayer_lowered:
.L_overlay_start_2:
0x127: {  	(tag) =	ssettag $0x2  }
0x128: {  	s0 =	rddreg [dreg:$0x0];
	s2 =	stileid.u32  }
0x129: {  	s1 =	rddreg [dreg:$0x1];
	p0 =	sne.s32 s2, $0x0  }
0x12a: {  	s3 =	rddreg [dreg:$0x2];
	[bflag:$0x3] =	sbarrier.arrive $0xFFFF;
	s2 =	simm.s32 @!p0 $0x1C05  }
0x12b: {  	[timem:s3], [sflag:s2] =	dma.local @!p0 [hbm:s0], s1  }
0x12c: {  	s0 =	simm.s32 @!p0 $0x5  }
0x12d: {  	_ =	swait.ge @!p0 [sflag:s0], s1  }
0x12e: {  	s1 =	ssub.s32 @!p0 $0x0, s1;
	[sflag:s0] =	ssyncset.done @!p0 $0x0  }
0x12f: {  	[sflag:s0] =	ssyncadd.s32 @!p0 s1  }
0x130: {  	[bflag:$0x3] =	sbarrier.arrive $0xFFFF  }
0x131: {  	_ =	shalt  }

</sc_bundles>
